<compile_context>
chip_gen: v7x
topology: tpu7x:2x2x1
jax: 0.10.2.dev20260603
libtpu: 0.0.44.dev20260713+nightly
codegen_flags: <defaults>
</compile_context>

<pallas_src>
import functools

import jax
import jax.numpy as jnp
from jax import lax
from jax.experimental import pallas as pl
from jax.experimental.pallas import tpu as pltpu
from jax.experimental.pallas import tpu_sc as plsc

N = 100000
G = 512
DIM = 128
F = 8
TN = 1024
T = 98
N_PAD = T * TN

EROW = 128
KB = 80
BATCH_G = 8
NW = 32
NSUB = 16
ROWS_PER_TILE = N_PAD // NSUB

_HIGHEST = jax.lax.Precision.HIGHEST


def _dot0(a, b):
    return lax.dot_general(a, b, (((0,), (0,)), ((), ())),
                           precision=_HIGHEST)


def _sc_agg(xp, srcm, dstm):
    n_rows = srcm.shape[0]
    rows_per_w = n_rows // NW
    nblk = rows_per_w // KB

    mesh = plsc.VectorSubcoreMesh(core_axis_name="c", subcore_axis_name="s")

    @functools.partial(
        pl.kernel,
        out_type=jax.ShapeDtypeStruct((2 * N_PAD, F), jnp.float32),
        mesh=mesh,
        compiler_params=pltpu.CompilerParams(use_tc_tiling_on_sc=False),
        scratch_types=[
            pltpu.VMEM((KB, EROW), jnp.int32),
            pltpu.VMEM((KB, EROW), jnp.int32),
            pltpu.VMEM((BATCH_G, EROW, F), jnp.float32),
            pltpu.VMEM((ROWS_PER_TILE, F), jnp.float32),
            pltpu.VMEM_SHARED((N_PAD, F), jnp.float32),
            pltpu.SemaphoreType.DMA,
        ],
    )
    def k(x_hbm, src_hbm, dst_hbm, out_hbm,
          sbuf, dbuf, rows, bounce, acc_sh, sem):
        c = lax.axis_index("c")
        s = lax.axis_index("s")
        wid = c * NSUB + s

        r0 = s * ROWS_PER_TILE
        pltpu.sync_copy(x_hbm.at[pl.ds(r0, ROWS_PER_TILE)], bounce)
        pltpu.sync_copy(bounce, acc_sh.at[pl.ds(r0, ROWS_PER_TILE)])
        plsc.subcore_barrier()

        wbase = wid * rows_per_w

        def blk_body(blk, carry):
            row0 = wbase + blk * KB
            pltpu.sync_copy(src_hbm.at[pl.ds(row0, KB)], sbuf)
            pltpu.sync_copy(dst_hbm.at[pl.ds(row0, KB)], dbuf)

            def edge_body(g, carry2):
                descs = []
                for j in range(BATCH_G):
                    descs.append(pltpu.async_copy(
                        x_hbm.at[sbuf.at[g * BATCH_G + j]],
                        rows.at[j], sem))
                for dsc in descs:
                    dsc.wait()
                for j in range(BATCH_G):
                    pltpu.sync_copy(rows.at[j],
                                    acc_sh.at[dbuf.at[g * BATCH_G + j]],
                                    add=True)
                return carry2

            return lax.fori_loop(0, KB // BATCH_G, edge_body, carry)

        lax.fori_loop(0, nblk, blk_body, 0)
        plsc.subcore_barrier()

        off = c * N_PAD + s * ROWS_PER_TILE
        pltpu.sync_copy(acc_sh.at[pl.ds(r0, ROWS_PER_TILE)], bounce)
        pltpu.sync_copy(bounce, out_hbm.at[pl.ds(off, ROWS_PER_TILE)])

    return k(xp, srcm, dstm)


def _tc_body(p0_ref, p1_ref, xp_ref, lo_ref, hi_ref, W1_ref, b1_ref,
             W2_ref, b2_ref, W3_ref, b3_ref, gW_ref, gb_ref, f1W_ref,
             f1b_ref, f2W_ref, f2b_ref, gam_ref, bet_ref, base_ref,
             out_o_ref, out_a_ref, out_b_ref,
             s_ref, m_ref, d_ref, P_ref):
    p = pl.program_id(0)
    t = pl.program_id(1)

    @pl.when(p == 0)
    def _phase0():
        h3 = p0_ref[...] + p1_ref[...] - xp_ref[...]

        @pl.when(t == 0)
        def _():
            s_ref[...] = jnp.zeros((1, 2 * F), jnp.float32)

        s1 = jnp.sum(h3, axis=0, keepdims=True)
        s2 = jnp.sum(h3 * h3, axis=0, keepdims=True)
        s_ref[...] += jnp.concatenate([s1, s2], axis=1)

    @pl.when(p == 1)
    def _phase1():
        @pl.when(t == 0)
        def _():
            m_ref[...] = jnp.full((1, G), -jnp.inf, jnp.float32)
            d_ref[...] = jnp.zeros((1, G), jnp.float32)
            P_ref[...] = jnp.zeros((DIM, G), jnp.float32)

        stats = s_ref[...]
        mean = stats[:, 0:F] / N
        var = stats[:, F:2 * F] / N - mean * mean
        rstd = lax.rsqrt(var + 1e-5)

        h3 = p0_ref[...] + p1_ref[...] - xp_ref[...]
        hn = (h3 - mean) * rstd * gam_ref[...] + bet_ref[...]

        z = jnp.maximum(jnp.dot(hn, W1_ref[...], precision=_HIGHEST)
                        + b1_ref[...], 0.0)
        z = jnp.maximum(jnp.dot(z, W2_ref[...], precision=_HIGHEST)
                        + b2_ref[...], 0.0)
        z = jnp.maximum(jnp.dot(z, W3_ref[...], precision=_HIGHEST)
                        + b3_ref[...], 0.0)
        gate = jnp.dot(z, gW_ref[...], precision=_HIGHEST) + gb_ref[...]

        gid = t * TN + lax.broadcasted_iota(jnp.int32, (TN, 1), 0)
        oh = jnp.logical_and(gid >= lo_ref[...], gid < hi_ref[...])
        ohf = oh.astype(jnp.float32)

        neg_inf = jnp.float32(-jnp.inf)
        tile_m = jnp.max(jnp.where(oh, gate, neg_inf), axis=0,
                         keepdims=True)
        m_old = m_ref[...]
        m_new = jnp.maximum(m_old, tile_m)
        m_ref[...] = m_new
        scale = jnp.where(m_new == neg_inf, 0.0, jnp.exp(m_old - m_new))

        m_node = jnp.max(jnp.where(oh, m_new, neg_inf), axis=1,
                         keepdims=True)
        e = jnp.where(m_node == neg_inf, 0.0, jnp.exp(gate - m_node))

        d_ref[...] = d_ref[...] * scale + _dot0(e, ohf)
        P_ref[...] = P_ref[...] * scale + _dot0(e * z, ohf)

        @pl.when(t == T - 1)
        def _():
            pooled_t = P_ref[...] / (d_ref[...] + 1e-16)
            a_row = _dot0(f1W_ref[...], pooled_t) + f1b_ref[...]
            b_row = _dot0(f2W_ref[...], pooled_t) + f2b_ref[...]
            out_a_ref[...] = a_row
            out_b_ref[...] = b_row
            out_o_ref[...] = a_row * base_ref[...] + b_row


def _tc_main(parts, xp, lo, hi, W1p, b1, W2, b2, W3, b3, gW, gb,
             f1W, f1b, f2W, f2b, gam, bet, baser):
    full = lambda shape: pl.BlockSpec(shape, lambda p, t: (0,) * len(shape))
    specs = [
        pl.BlockSpec((TN, F), lambda p, t: (t, 0)),
        pl.BlockSpec((TN, F), lambda p, t: (t + T, 0)),
        pl.BlockSpec((TN, F), lambda p, t: (t, 0)),
        full((1, G)), full((1, G)),
        full((F, DIM)), full((1, DIM)), full((DIM, DIM)), full((1, DIM)),
        full((DIM, DIM)), full((1, DIM)), full((DIM, 1)), full((1, 1)),
        full((DIM, 1)), full((1, 1)), full((DIM, 1)), full((1, 1)),
        full((1, F)), full((1, F)), full((1, G)),
    ]
    out_specs = [full((1, G)), full((1, G)), full((1, G))]
    out_shapes = [jax.ShapeDtypeStruct((1, G), jnp.float32)] * 3
    return pl.pallas_call(
        _tc_body,
        grid=(2, T),
        in_specs=specs,
        out_specs=out_specs,
        out_shape=out_shapes,
        scratch_shapes=[
            pltpu.VMEM((1, 2 * F), jnp.float32),
            pltpu.VMEM((1, G), jnp.float32),
            pltpu.VMEM((1, G), jnp.float32),
            pltpu.VMEM((DIM, G), jnp.float32),
        ],
    )(parts, parts, xp, lo, hi, W1p, b1, W2, b2, W3, b3, gW, gb,
      f1W, f1b, f2W, f2b, gam, bet, baser)


def kernel(x, edge_index, batch, base, bn_gamma, bn_beta, W1, b1, W2, b2,
           W3, b3, gate_W, gate_b, fc1_W, fc1_b, fc2_W, fc2_b):
    E = edge_index.shape[1]
    epw = NW * KB * EROW
    e_pad = ((E + epw - 1) // epw) * epw

    xp = jnp.zeros((N_PAD, F), jnp.float32).at[:N, :3].set(x)

    fill = N + (lax.iota(jnp.int32, e_pad - E) % 256)
    srcm = jnp.concatenate([edge_index[0], fill]).reshape(-1, EROW)
    dstm = jnp.concatenate([edge_index[1], fill]).reshape(-1, EROW)

    parts = _sc_agg(xp, srcm, dstm)

    starts = jnp.searchsorted(batch, jnp.arange(G + 1, dtype=jnp.int32)
                              ).astype(jnp.int32)
    lo = starts[:G].reshape(1, G)
    hi = starts[1:].reshape(1, G)
    W1p = jnp.zeros((F, DIM), jnp.float32).at[:3].set(W1)
    gam = jnp.zeros((1, F), jnp.float32).at[0, :3].set(bn_gamma)
    bet = jnp.zeros((1, F), jnp.float32).at[0, :3].set(bn_beta)

    out_row, a_row, b_row = _tc_main(
        parts, xp, lo, hi, W1p, b1.reshape(1, DIM), W2, b2.reshape(1, DIM),
        W3, b3.reshape(1, DIM), gate_W, gate_b.reshape(1, 1),
        fc1_W, fc1_b.reshape(1, 1), fc2_W, fc2_b.reshape(1, 1),
        gam, bet, base.reshape(1, G))

    return (out_row.reshape(G, 1), a_row.reshape(G, 1),
            b_row.reshape(G, 1))

# --- scband reference (transcript-rebuilt; emitter-appended) ---
"""Pipeline reference for scband-gnn-guided-baseline-simple-21689584845280 (READ-ONLY COPY).

The authoritative reference and input builder live on the scoring server;
editing this copy changes nothing except your own understanding.
"""

import jax, jax.numpy as jnp
import numpy as np

N = 100000
E = 3200000
DIM = 128
OUT = 1
G = 512


def setup_inputs(seed: int = 0) -> dict:
    key = jax.random.key(seed)
    ks = jax.random.split(key, 20)
    x = jax.random.normal(ks[0], (N, 3), dtype=jnp.float32)
    edge_index = jax.random.randint(ks[1], (2, E), 0, N, dtype=jnp.int32)
    batch = jnp.sort(jax.random.randint(ks[2], (N,), 0, G, dtype=jnp.int32))
    base = jax.random.normal(ks[3], (G, OUT), dtype=jnp.float32)
    s3 = 1.0 / np.sqrt(3.0)
    sd = 1.0 / np.sqrt(DIM)
    params = {
        'bn_gamma': jnp.ones((3,), jnp.float32),
        'bn_beta': jnp.zeros((3,), jnp.float32),
        'W1': jax.random.uniform(ks[4], (3, DIM), jnp.float32, -s3, s3),
        'b1': jax.random.uniform(ks[5], (DIM,), jnp.float32, -s3, s3),
        'W2': jax.random.uniform(ks[6], (DIM, DIM), jnp.float32, -sd, sd),
        'b2': jax.random.uniform(ks[7], (DIM,), jnp.float32, -sd, sd),
        'W3': jax.random.uniform(ks[8], (DIM, DIM), jnp.float32, -sd, sd),
        'b3': jax.random.uniform(ks[9], (DIM,), jnp.float32, -sd, sd),
        'gate_W': jax.random.uniform(ks[10], (DIM, 1), jnp.float32, -sd, sd),
        'gate_b': jax.random.uniform(ks[11], (1,), jnp.float32, -sd, sd),
        'fc1_W': jax.random.uniform(ks[12], (DIM, OUT), jnp.float32, -sd, sd),
        'fc1_b': jax.random.uniform(ks[13], (OUT,), jnp.float32, -sd, sd),
        'fc2_W': jax.random.uniform(ks[14], (DIM, OUT), jnp.float32, -sd, sd),
        'fc2_b': jax.random.uniform(ks[15], (OUT,), jnp.float32, -sd, sd),
    }
    inp = {'x': x, 'edge_index': edge_index, 'batch': batch, 'base': base}
    inp.update(params)
    return inp


def reference(x, edge_index, batch, base, bn_gamma, bn_beta, W1, b1, W2, b2, W3, b3, gate_W, gate_b, fc1_W, fc1_b, fc2_W, fc2_b):
    src = edge_index[0]
    dst = edge_index[1]
    # GINConv (eps=0): h = nn(x + sum_{j->i} x_j)
    agg = jax.ops.segment_sum(jnp.take(x, src, axis=0), dst, num_segments=N)
    h = x + agg
    # BatchNorm1d(3), training-mode batch statistics (biased var)
    mean = jnp.mean(h, axis=0)
    var = jnp.var(h, axis=0)
    h = (h - mean) / jnp.sqrt(var + 1e-5) * bn_gamma + bn_beta
    # MLP: Linear-ReLU-Linear-ReLU-Linear
    h = jax.nn.relu(h @ W1 + b1)
    h = jax.nn.relu(h @ W2 + b2)
    h = h @ W3 + b3
    # outer F.relu
    h = jax.nn.relu(h)
    # AttentionalAggregation: segment softmax over gate, weighted sum
    gate = h @ gate_W + gate_b  # [N, 1]
    gmax = jax.ops.segment_max(gate, batch, num_segments=G)
    gmax = jnp.where(jnp.isfinite(gmax), gmax, 0.0)
    gmax = jax.lax.stop_gradient(gmax)
    e = jnp.exp(gate - jnp.take(gmax, batch, axis=0))
    denom = jax.ops.segment_sum(e, batch, num_segments=G)
    w = e / (jnp.take(denom, batch, axis=0) + 1e-16)
    pooled = jax.ops.segment_sum(w * h, batch, num_segments=G)  # [G, DIM]
    a = pooled @ fc1_W + fc1_b
    b_out = pooled @ fc2_W + fc2_b
    out = a * base + b_out
    return (out, a, b_out)

if __name__ == "__main__":
    import jax
    _d = setup_inputs()
    print(jax.jit(kernel)(*tuple(_d.values())))

</pallas_src>

<mosaic_0001>
#map = affine_map<(d0, d1) -> (0, 0)>
module attributes {stable_mosaic.version = 14 : i64} {
  func.func @k(%arg0: i32, %arg1: i32, %arg2: memref<100352x8xf32, #tpu.memory_space<hbm>>, %arg3: memref<25600x128xi32, #tpu.memory_space<hbm>>, %arg4: memref<25600x128xi32, #tpu.memory_space<hbm>>, %arg5: memref<200704x8xf32, #tpu.memory_space<hbm>>, %arg6: memref<80x128xi32, #tpu.memory_space<vmem>>, %arg7: memref<80x128xi32, #tpu.memory_space<vmem>>, %arg8: memref<8x128x8xf32, #tpu.memory_space<vmem>>, %arg9: memref<6272x8xf32, #tpu.memory_space<vmem>>, %arg10: memref<100352x8xf32, #tpu.memory_space<vmem_shared>>, %arg11: memref<!tpu.dma_semaphore, #tpu.memory_space<semaphore_mem>>) attributes {dimension_semantics = [#tpu.dimension_semantics<core_parallel>, #tpu.dimension_semantics<subcore_parallel>], iteration_bounds = array<i64: 2, 16>, scalar_prefetch = 0 : i64, scratch_operands = 6 : i64, tpu.core_type = #tpu.core_type<sc_vector_subcore>, window_params = [{transform_indices = #map}, {transform_indices = #map}, {transform_indices = #map}, {transform_indices = #map}]} {
    %mul3A = arith.constant 16 : i32
    %mul3A_0 = arith.muli %arg0, %mul3A : i32
    %add3A = arith.addi %mul3A_0, %arg1 : i32
    %mul3A_1 = arith.constant 6272 : i32
    %mul3A_2 = arith.muli %arg1, %mul3A_1 : i32
    "tpu.region"() ({
      %run_scoped3A = tpu.sem_alloc : memref<!tpu.dma_semaphore, #tpu.memory_space<semaphore_mem>>
      %dma_start3A = arith.constant 0 : i32
      %dma_start3A_16 = tpu.memref_slice %arg2[%mul3A_2, %dma_start3A] : memref<100352x8xf32, #tpu.memory_space<hbm>> -> memref<6272x8xf32, #tpu.memory_space<hbm>>
      %dma_start3A_17 = arith.constant 0 : i32
      %dma_start3A_18 = tpu.memref_slice %arg2[%mul3A_2, %dma_start3A_17] : memref<100352x8xf32, #tpu.memory_space<hbm>> -> memref<6272x8xf32, #tpu.memory_space<hbm>>
      tpu.enqueue_dma source(%dma_start3A_18 : memref<6272x8xf32, #tpu.memory_space<hbm>>) target(%arg9 : memref<6272x8xf32, #tpu.memory_space<vmem>>) target_semaphore(%run_scoped3A : memref<!tpu.dma_semaphore, #tpu.memory_space<semaphore_mem>>)
      %dma_wait3A = arith.constant 0 : i32
      %dma_wait3A_19 = tpu.memref_slice %arg2[%mul3A_2, %dma_wait3A] : memref<100352x8xf32, #tpu.memory_space<hbm>> -> memref<6272x8xf32, #tpu.memory_space<hbm>>
      %dma_wait3A_20 = arith.constant 0 : i32
      %dma_wait3A_21 = tpu.memref_slice %arg2[%mul3A_2, %dma_wait3A_20] : memref<100352x8xf32, #tpu.memory_space<hbm>> -> memref<6272x8xf32, #tpu.memory_space<hbm>>
      tpu.wait_dma2 semaphore(%run_scoped3A : memref<!tpu.dma_semaphore, #tpu.memory_space<semaphore_mem>>) src(%dma_wait3A_21 : memref<6272x8xf32, #tpu.memory_space<hbm>>) dst(%arg9 : memref<6272x8xf32, #tpu.memory_space<vmem>>)
      tpu.yield
    }) : () -> ()
    "tpu.region"() ({
      %run_scoped3A = tpu.sem_alloc : memref<!tpu.dma_semaphore, #tpu.memory_space<semaphore_mem>>
      %dma_start3A = arith.constant 0 : i32
      %dma_start3A_16 = tpu.memref_slice %arg10[%mul3A_2, %dma_start3A] : memref<100352x8xf32, #tpu.memory_space<vmem_shared>> -> memref<6272x8xf32, #tpu.memory_space<vmem_shared>>
      %dma_start3A_17 = arith.constant 0 : i32
      %dma_start3A_18 = tpu.memref_slice %arg10[%mul3A_2, %dma_start3A_17] : memref<100352x8xf32, #tpu.memory_space<vmem_shared>> -> memref<6272x8xf32, #tpu.memory_space<vmem_shared>>
      tpu.enqueue_dma source(%arg9 : memref<6272x8xf32, #tpu.memory_space<vmem>>) target(%dma_start3A_18 : memref<6272x8xf32, #tpu.memory_space<vmem_shared>>) target_semaphore(%run_scoped3A : memref<!tpu.dma_semaphore, #tpu.memory_space<semaphore_mem>>)
      %dma_wait3A = arith.constant 0 : i32
      %dma_wait3A_19 = tpu.memref_slice %arg10[%mul3A_2, %dma_wait3A] : memref<100352x8xf32, #tpu.memory_space<vmem_shared>> -> memref<6272x8xf32, #tpu.memory_space<vmem_shared>>
      %dma_wait3A_20 = arith.constant 0 : i32
      %dma_wait3A_21 = tpu.memref_slice %arg10[%mul3A_2, %dma_wait3A_20] : memref<100352x8xf32, #tpu.memory_space<vmem_shared>> -> memref<6272x8xf32, #tpu.memory_space<vmem_shared>>
      tpu.wait_dma2 semaphore(%run_scoped3A : memref<!tpu.dma_semaphore, #tpu.memory_space<semaphore_mem>>) src(%arg9 : memref<6272x8xf32, #tpu.memory_space<vmem>>) dst(%dma_wait3A_21 : memref<6272x8xf32, #tpu.memory_space<vmem_shared>>)
      tpu.yield
    }) : () -> ()
    %barrier3A = arith.constant 0 : index
    tpu.barrier barrier_id(%barrier3A)
    %mul3A_3 = arith.constant 800 : i32
    %mul3A_4 = arith.muli %add3A, %mul3A_3 : i32
    %scan3A = arith.constant 0 : i32
    %scan3A_5 = arith.constant 0 : i32
    %scan3A_6 = arith.constant 10 : i32
    %scan3A_7 = arith.addi %scan3A_5, %scan3A_6 : i32
    %scan3A_8 = arith.constant 1 : i32
    scf.for %scan3A_16 = %scan3A_5 to %scan3A_7 step %scan3A_8  : i32 {
      %mul3A_17 = arith.constant 80 : i32
      %mul3A_18 = arith.muli %scan3A_16, %mul3A_17 : i32
      %add3A_19 = arith.addi %mul3A_4, %mul3A_18 : i32
      "tpu.region"() ({
        %run_scoped3A = tpu.sem_alloc : memref<!tpu.dma_semaphore, #tpu.memory_space<semaphore_mem>>
        %dma_start3A = arith.constant 0 : i32
        %dma_start3A_25 = tpu.memref_slice %arg3[%add3A_19, %dma_start3A] : memref<25600x128xi32, #tpu.memory_space<hbm>> -> memref<80x128xi32, #tpu.memory_space<hbm>>
        %dma_start3A_26 = arith.constant 0 : i32
        %dma_start3A_27 = tpu.memref_slice %arg3[%add3A_19, %dma_start3A_26] : memref<25600x128xi32, #tpu.memory_space<hbm>> -> memref<80x128xi32, #tpu.memory_space<hbm>>
        tpu.enqueue_dma source(%dma_start3A_27 : memref<80x128xi32, #tpu.memory_space<hbm>>) target(%arg6 : memref<80x128xi32, #tpu.memory_space<vmem>>) target_semaphore(%run_scoped3A : memref<!tpu.dma_semaphore, #tpu.memory_space<semaphore_mem>>)
        %dma_wait3A = arith.constant 0 : i32
        %dma_wait3A_28 = tpu.memref_slice %arg3[%add3A_19, %dma_wait3A] : memref<25600x128xi32, #tpu.memory_space<hbm>> -> memref<80x128xi32, #tpu.memory_space<hbm>>
        %dma_wait3A_29 = arith.constant 0 : i32
        %dma_wait3A_30 = tpu.memref_slice %arg3[%add3A_19, %dma_wait3A_29] : memref<25600x128xi32, #tpu.memory_space<hbm>> -> memref<80x128xi32, #tpu.memory_space<hbm>>
        tpu.wait_dma2 semaphore(%run_scoped3A : memref<!tpu.dma_semaphore, #tpu.memory_space<semaphore_mem>>) src(%dma_wait3A_30 : memref<80x128xi32, #tpu.memory_space<hbm>>) dst(%arg6 : memref<80x128xi32, #tpu.memory_space<vmem>>)
        tpu.yield
      }) : () -> ()
      "tpu.region"() ({
        %run_scoped3A = tpu.sem_alloc : memref<!tpu.dma_semaphore, #tpu.memory_space<semaphore_mem>>
        %dma_start3A = arith.constant 0 : i32
        %dma_start3A_25 = tpu.memref_slice %arg4[%add3A_19, %dma_start3A] : memref<25600x128xi32, #tpu.memory_space<hbm>> -> memref<80x128xi32, #tpu.memory_space<hbm>>
        %dma_start3A_26 = arith.constant 0 : i32
        %dma_start3A_27 = tpu.memref_slice %arg4[%add3A_19, %dma_start3A_26] : memref<25600x128xi32, #tpu.memory_space<hbm>> -> memref<80x128xi32, #tpu.memory_space<hbm>>
        tpu.enqueue_dma source(%dma_start3A_27 : memref<80x128xi32, #tpu.memory_space<hbm>>) target(%arg7 : memref<80x128xi32, #tpu.memory_space<vmem>>) target_semaphore(%run_scoped3A : memref<!tpu.dma_semaphore, #tpu.memory_space<semaphore_mem>>)
        %dma_wait3A = arith.constant 0 : i32
        %dma_wait3A_28 = tpu.memref_slice %arg4[%add3A_19, %dma_wait3A] : memref<25600x128xi32, #tpu.memory_space<hbm>> -> memref<80x128xi32, #tpu.memory_space<hbm>>
        %dma_wait3A_29 = arith.constant 0 : i32
        %dma_wait3A_30 = tpu.memref_slice %arg4[%add3A_19, %dma_wait3A_29] : memref<25600x128xi32, #tpu.memory_space<hbm>> -> memref<80x128xi32, #tpu.memory_space<hbm>>
        tpu.wait_dma2 semaphore(%run_scoped3A : memref<!tpu.dma_semaphore, #tpu.memory_space<semaphore_mem>>) src(%dma_wait3A_30 : memref<80x128xi32, #tpu.memory_space<hbm>>) dst(%arg7 : memref<80x128xi32, #tpu.memory_space<vmem>>)
        tpu.yield
      }) : () -> ()
      %scan3A_20 = arith.constant 0 : i32
      %scan3A_21 = arith.constant 10 : i32
      %scan3A_22 = arith.addi %scan3A_20, %scan3A_21 : i32
      %scan3A_23 = arith.constant 1 : i32
      scf.for %scan3A_25 = %scan3A_20 to %scan3A_22 step %scan3A_23  : i32 {
        %mul3A_26 = arith.constant 8 : i32
        %mul3A_27 = arith.muli %scan3A_25, %mul3A_26 : i32
        %add3A_28 = arith.constant 0 : i32
        %add3A_29 = arith.addi %mul3A_27, %add3A_28 : i32
        %dma_start3A = arith.constant 0 : i32
        %dma_start3A_30 = arith.constant 0 : i32
        %dma_start3A_31 = arith.constant 0 : i32
        %dma_start3A_32 = tpu.memref_slice %arg8[%dma_start3A, %dma_start3A_30, %dma_start3A_31] : memref<8x128x8xf32, #tpu.memory_space<vmem>> -> memref<1x128x8xf32, #tpu.memory_space<vmem>>
        %dma_start3A_33 = tpu.memref_squeeze %dma_start3A_32 : memref<1x128x8xf32, #tpu.memory_space<vmem>> -> memref<128x8xf32, #tpu.memory_space<vmem>>
        %dma_start3A_34 = arith.constant 0 : i32
        %dma_start3A_35 = tpu.memref_slice %arg6[%add3A_29, %dma_start3A_34] : memref<80x128xi32, #tpu.memory_space<vmem>> -> memref<1x128xi32, #tpu.memory_space<vmem>>
        %dma_start3A_36 = tpu.memref_squeeze %dma_start3A_35 : memref<1x128xi32, #tpu.memory_space<vmem>> -> memref<128xi32, #tpu.memory_space<vmem>>
        %dma_start3A_37 = arith.constant 0 : i32
        %dma_start3A_38 = arith.constant 0 : i32
        %dma_start3A_39 = tpu.memref_slice %arg2[%dma_start3A_37, %dma_start3A_38] : memref<100352x8xf32, #tpu.memory_space<hbm>> -> memref<100352x8xf32, #tpu.memory_space<hbm>>
        tpu.enqueue_indirect_dma source(%dma_start3A_39 : memref<100352x8xf32, #tpu.memory_space<hbm>>) target(%dma_start3A_33 : memref<128x8xf32, #tpu.memory_space<vmem>>) offsets(%dma_start3A_36 : memref<128xi32, #tpu.memory_space<vmem>>) semaphore(%arg11 : memref<!tpu.dma_semaphore, #tpu.memory_space<semaphore_mem>>)
        %mul3A_40 = arith.constant 8 : i32
        %mul3A_41 = arith.muli %scan3A_25, %mul3A_40 : i32
        %add3A_42 = arith.constant 1 : i32
        %add3A_43 = arith.addi %mul3A_41, %add3A_42 : i32
        %dma_start3A_44 = arith.constant 1 : i32
        %dma_start3A_45 = arith.constant 0 : i32
        %dma_start3A_46 = arith.constant 0 : i32
        %dma_start3A_47 = tpu.memref_slice %arg8[%dma_start3A_44, %dma_start3A_45, %dma_start3A_46] : memref<8x128x8xf32, #tpu.memory_space<vmem>> -> memref<1x128x8xf32, #tpu.memory_space<vmem>>
        %dma_start3A_48 = tpu.memref_squeeze %dma_start3A_47 : memref<1x128x8xf32, #tpu.memory_space<vmem>> -> memref<128x8xf32, #tpu.memory_space<vmem>>
        %dma_start3A_49 = arith.constant 0 : i32
        %dma_start3A_50 = tpu.memref_slice %arg6[%add3A_43, %dma_start3A_49] : memref<80x128xi32, #tpu.memory_space<vmem>> -> memref<1x128xi32, #tpu.memory_space<vmem>>
        %dma_start3A_51 = tpu.memref_squeeze %dma_start3A_50 : memref<1x128xi32, #tpu.memory_space<vmem>> -> memref<128xi32, #tpu.memory_space<vmem>>
        %dma_start3A_52 = arith.constant 0 : i32
        %dma_start3A_53 = arith.constant 0 : i32
        %dma_start3A_54 = tpu.memref_slice %arg2[%dma_start3A_52, %dma_start3A_53] : memref<100352x8xf32, #tpu.memory_space<hbm>> -> memref<100352x8xf32, #tpu.memory_space<hbm>>
        tpu.enqueue_indirect_dma source(%dma_start3A_54 : memref<100352x8xf32, #tpu.memory_space<hbm>>) target(%dma_start3A_48 : memref<128x8xf32, #tpu.memory_space<vmem>>) offsets(%dma_start3A_51 : memref<128xi32, #tpu.memory_space<vmem>>) semaphore(%arg11 : memref<!tpu.dma_semaphore, #tpu.memory_space<semaphore_mem>>)
        %mul3A_55 = arith.constant 8 : i32
        %mul3A_56 = arith.muli %scan3A_25, %mul3A_55 : i32
        %add3A_57 = arith.constant 2 : i32
        %add3A_58 = arith.addi %mul3A_56, %add3A_57 : i32
        %dma_start3A_59 = arith.constant 2 : i32
        %dma_start3A_60 = arith.constant 0 : i32
        %dma_start3A_61 = arith.constant 0 : i32
        %dma_start3A_62 = tpu.memref_slice %arg8[%dma_start3A_59, %dma_start3A_60, %dma_start3A_61] : memref<8x128x8xf32, #tpu.memory_space<vmem>> -> memref<1x128x8xf32, #tpu.memory_space<vmem>>
        %dma_start3A_63 = tpu.memref_squeeze %dma_start3A_62 : memref<1x128x8xf32, #tpu.memory_space<vmem>> -> memref<128x8xf32, #tpu.memory_space<vmem>>
        %dma_start3A_64 = arith.constant 0 : i32
        %dma_start3A_65 = tpu.memref_slice %arg6[%add3A_58, %dma_start3A_64] : memref<80x128xi32, #tpu.memory_space<vmem>> -> memref<1x128xi32, #tpu.memory_space<vmem>>
        %dma_start3A_66 = tpu.memref_squeeze %dma_start3A_65 : memref<1x128xi32, #tpu.memory_space<vmem>> -> memref<128xi32, #tpu.memory_space<vmem>>
        %dma_start3A_67 = arith.constant 0 : i32
        %dma_start3A_68 = arith.constant 0 : i32
        %dma_start3A_69 = tpu.memref_slice %arg2[%dma_start3A_67, %dma_start3A_68] : memref<100352x8xf32, #tpu.memory_space<hbm>> -> memref<100352x8xf32, #tpu.memory_space<hbm>>
        tpu.enqueue_indirect_dma source(%dma_start3A_69 : memref<100352x8xf32, #tpu.memory_space<hbm>>) target(%dma_start3A_63 : memref<128x8xf32, #tpu.memory_space<vmem>>) offsets(%dma_start3A_66 : memref<128xi32, #tpu.memory_space<vmem>>) semaphore(%arg11 : memref<!tpu.dma_semaphore, #tpu.memory_space<semaphore_mem>>)
        %mul3A_70 = arith.constant 8 : i32
        %mul3A_71 = arith.muli %scan3A_25, %mul3A_70 : i32
        %add3A_72 = arith.constant 3 : i32
        %add3A_73 = arith.addi %mul3A_71, %add3A_72 : i32
        %dma_start3A_74 = arith.constant 3 : i32
        %dma_start3A_75 = arith.constant 0 : i32
        %dma_start3A_76 = arith.constant 0 : i32
        %dma_start3A_77 = tpu.memref_slice %arg8[%dma_start3A_74, %dma_start3A_75, %dma_start3A_76] : memref<8x128x8xf32, #tpu.memory_space<vmem>> -> memref<1x128x8xf32, #tpu.memory_space<vmem>>
        %dma_start3A_78 = tpu.memref_squeeze %dma_start3A_77 : memref<1x128x8xf32, #tpu.memory_space<vmem>> -> memref<128x8xf32, #tpu.memory_space<vmem>>
        %dma_start3A_79 = arith.constant 0 : i32
        %dma_start3A_80 = tpu.memref_slice %arg6[%add3A_73, %dma_start3A_79] : memref<80x128xi32, #tpu.memory_space<vmem>> -> memref<1x128xi32, #tpu.memory_space<vmem>>
        %dma_start3A_81 = tpu.memref_squeeze %dma_start3A_80 : memref<1x128xi32, #tpu.memory_space<vmem>> -> memref<128xi32, #tpu.memory_space<vmem>>
        %dma_start3A_82 = arith.constant 0 : i32
        %dma_start3A_83 = arith.constant 0 : i32
        %dma_start3A_84 = tpu.memref_slice %arg2[%dma_start3A_82, %dma_start3A_83] : memref<100352x8xf32, #tpu.memory_space<hbm>> -> memref<100352x8xf32, #tpu.memory_space<hbm>>
        tpu.enqueue_indirect_dma source(%dma_start3A_84 : memref<100352x8xf32, #tpu.memory_space<hbm>>) target(%dma_start3A_78 : memref<128x8xf32, #tpu.memory_space<vmem>>) offsets(%dma_start3A_81 : memref<128xi32, #tpu.memory_space<vmem>>) semaphore(%arg11 : memref<!tpu.dma_semaphore, #tpu.memory_space<semaphore_mem>>)
        %mul3A_85 = arith.constant 8 : i32
        %mul3A_86 = arith.muli %scan3A_25, %mul3A_85 : i32
        %add3A_87 = arith.constant 4 : i32
        %add3A_88 = arith.addi %mul3A_86, %add3A_87 : i32
        %dma_start3A_89 = arith.constant 4 : i32
        %dma_start3A_90 = arith.constant 0 : i32
        %dma_start3A_91 = arith.constant 0 : i32
        %dma_start3A_92 = tpu.memref_slice %arg8[%dma_start3A_89, %dma_start3A_90, %dma_start3A_91] : memref<8x128x8xf32, #tpu.memory_space<vmem>> -> memref<1x128x8xf32, #tpu.memory_space<vmem>>
        %dma_start3A_93 = tpu.memref_squeeze %dma_start3A_92 : memref<1x128x8xf32, #tpu.memory_space<vmem>> -> memref<128x8xf32, #tpu.memory_space<vmem>>
        %dma_start3A_94 = arith.constant 0 : i32
        %dma_start3A_95 = tpu.memref_slice %arg6[%add3A_88, %dma_start3A_94] : memref<80x128xi32, #tpu.memory_space<vmem>> -> memref<1x128xi32, #tpu.memory_space<vmem>>
        %dma_start3A_96 = tpu.memref_squeeze %dma_start3A_95 : memref<1x128xi32, #tpu.memory_space<vmem>> -> memref<128xi32, #tpu.memory_space<vmem>>
        %dma_start3A_97 = arith.constant 0 : i32
        %dma_start3A_98 = arith.constant 0 : i32
        %dma_start3A_99 = tpu.memref_slice %arg2[%dma_start3A_97, %dma_start3A_98] : memref<100352x8xf32, #tpu.memory_space<hbm>> -> memref<100352x8xf32, #tpu.memory_space<hbm>>
        tpu.enqueue_indirect_dma source(%dma_start3A_99 : memref<100352x8xf32, #tpu.memory_space<hbm>>) target(%dma_start3A_93 : memref<128x8xf32, #tpu.memory_space<vmem>>) offsets(%dma_start3A_96 : memref<128xi32, #tpu.memory_space<vmem>>) semaphore(%arg11 : memref<!tpu.dma_semaphore, #tpu.memory_space<semaphore_mem>>)
        %mul3A_100 = arith.constant 8 : i32
        %mul3A_101 = arith.muli %scan3A_25, %mul3A_100 : i32
        %add3A_102 = arith.constant 5 : i32
        %add3A_103 = arith.addi %mul3A_101, %add3A_102 : i32
        %dma_start3A_104 = arith.constant 5 : i32
        %dma_start3A_105 = arith.constant 0 : i32
        %dma_start3A_106 = arith.constant 0 : i32
        %dma_start3A_107 = tpu.memref_slice %arg8[%dma_start3A_104, %dma_start3A_105, %dma_start3A_106] : memref<8x128x8xf32, #tpu.memory_space<vmem>> -> memref<1x128x8xf32, #tpu.memory_space<vmem>>
        %dma_start3A_108 = tpu.memref_squeeze %dma_start3A_107 : memref<1x128x8xf32, #tpu.memory_space<vmem>> -> memref<128x8xf32, #tpu.memory_space<vmem>>
        %dma_start3A_109 = arith.constant 0 : i32
        %dma_start3A_110 = tpu.memref_slice %arg6[%add3A_103, %dma_start3A_109] : memref<80x128xi32, #tpu.memory_space<vmem>> -> memref<1x128xi32, #tpu.memory_space<vmem>>
        %dma_start3A_111 = tpu.memref_squeeze %dma_start3A_110 : memref<1x128xi32, #tpu.memory_space<vmem>> -> memref<128xi32, #tpu.memory_space<vmem>>
        %dma_start3A_112 = arith.constant 0 : i32
        %dma_start3A_113 = arith.constant 0 : i32
        %dma_start3A_114 = tpu.memref_slice %arg2[%dma_start3A_112, %dma_start3A_113] : memref<100352x8xf32, #tpu.memory_space<hbm>> -> memref<100352x8xf32, #tpu.memory_space<hbm>>
        tpu.enqueue_indirect_dma source(%dma_start3A_114 : memref<100352x8xf32, #tpu.memory_space<hbm>>) target(%dma_start3A_108 : memref<128x8xf32, #tpu.memory_space<vmem>>) offsets(%dma_start3A_111 : memref<128xi32, #tpu.memory_space<vmem>>) semaphore(%arg11 : memref<!tpu.dma_semaphore, #tpu.memory_space<semaphore_mem>>)
        %mul3A_115 = arith.constant 8 : i32
        %mul3A_116 = arith.muli %scan3A_25, %mul3A_115 : i32
        %add3A_117 = arith.constant 6 : i32
        %add3A_118 = arith.addi %mul3A_116, %add3A_117 : i32
        %dma_start3A_119 = arith.constant 6 : i32
        %dma_start3A_120 = arith.constant 0 : i32
        %dma_start3A_121 = arith.constant 0 : i32
        %dma_start3A_122 = tpu.memref_slice %arg8[%dma_start3A_119, %dma_start3A_120, %dma_start3A_121] : memref<8x128x8xf32, #tpu.memory_space<vmem>> -> memref<1x128x8xf32, #tpu.memory_space<vmem>>
        %dma_start3A_123 = tpu.memref_squeeze %dma_start3A_122 : memref<1x128x8xf32, #tpu.memory_space<vmem>> -> memref<128x8xf32, #tpu.memory_space<vmem>>
        %dma_start3A_124 = arith.constant 0 : i32
        %dma_start3A_125 = tpu.memref_slice %arg6[%add3A_118, %dma_start3A_124] : memref<80x128xi32, #tpu.memory_space<vmem>> -> memref<1x128xi32, #tpu.memory_space<vmem>>
        %dma_start3A_126 = tpu.memref_squeeze %dma_start3A_125 : memref<1x128xi32, #tpu.memory_space<vmem>> -> memref<128xi32, #tpu.memory_space<vmem>>
        %dma_start3A_127 = arith.constant 0 : i32
        %dma_start3A_128 = arith.constant 0 : i32
        %dma_start3A_129 = tpu.memref_slice %arg2[%dma_start3A_127, %dma_start3A_128] : memref<100352x8xf32, #tpu.memory_space<hbm>> -> memref<100352x8xf32, #tpu.memory_space<hbm>>
        tpu.enqueue_indirect_dma source(%dma_start3A_129 : memref<100352x8xf32, #tpu.memory_space<hbm>>) target(%dma_start3A_123 : memref<128x8xf32, #tpu.memory_space<vmem>>) offsets(%dma_start3A_126 : memref<128xi32, #tpu.memory_space<vmem>>) semaphore(%arg11 : memref<!tpu.dma_semaphore, #tpu.memory_space<semaphore_mem>>)
        %mul3A_130 = arith.constant 8 : i32
        %mul3A_131 = arith.muli %scan3A_25, %mul3A_130 : i32
        %add3A_132 = arith.constant 7 : i32
        %add3A_133 = arith.addi %mul3A_131, %add3A_132 : i32
        %dma_start3A_134 = arith.constant 7 : i32
        %dma_start3A_135 = arith.constant 0 : i32
        %dma_start3A_136 = arith.constant 0 : i32
        %dma_start3A_137 = tpu.memref_slice %arg8[%dma_start3A_134, %dma_start3A_135, %dma_start3A_136] : memref<8x128x8xf32, #tpu.memory_space<vmem>> -> memref<1x128x8xf32, #tpu.memory_space<vmem>>
        %dma_start3A_138 = tpu.memref_squeeze %dma_start3A_137 : memref<1x128x8xf32, #tpu.memory_space<vmem>> -> memref<128x8xf32, #tpu.memory_space<vmem>>
        %dma_start3A_139 = arith.constant 0 : i32
        %dma_start3A_140 = tpu.memref_slice %arg6[%add3A_133, %dma_start3A_139] : memref<80x128xi32, #tpu.memory_space<vmem>> -> memref<1x128xi32, #tpu.memory_space<vmem>>
        %dma_start3A_141 = tpu.memref_squeeze %dma_start3A_140 : memref<1x128xi32, #tpu.memory_space<vmem>> -> memref<128xi32, #tpu.memory_space<vmem>>
        %dma_start3A_142 = arith.constant 0 : i32
        %dma_start3A_143 = arith.constant 0 : i32
        %dma_start3A_144 = tpu.memref_slice %arg2[%dma_start3A_142, %dma_start3A_143] : memref<100352x8xf32, #tpu.memory_space<hbm>> -> memref<100352x8xf32, #tpu.memory_space<hbm>>
        tpu.enqueue_indirect_dma source(%dma_start3A_144 : memref<100352x8xf32, #tpu.memory_space<hbm>>) target(%dma_start3A_138 : memref<128x8xf32, #tpu.memory_space<vmem>>) offsets(%dma_start3A_141 : memref<128xi32, #tpu.memory_space<vmem>>) semaphore(%arg11 : memref<!tpu.dma_semaphore, #tpu.memory_space<semaphore_mem>>)
        %dma_wait3A = arith.constant 0 : i32
        %dma_wait3A_145 = arith.constant 0 : i32
        %dma_wait3A_146 = arith.constant 0 : i32
        %dma_wait3A_147 = tpu.memref_slice %arg8[%dma_wait3A, %dma_wait3A_145, %dma_wait3A_146] : memref<8x128x8xf32, #tpu.memory_space<vmem>> -> memref<1x128x8xf32, #tpu.memory_space<vmem>>
        %dma_wait3A_148 = tpu.memref_squeeze %dma_wait3A_147 : memref<1x128x8xf32, #tpu.memory_space<vmem>> -> memref<128x8xf32, #tpu.memory_space<vmem>>
        %dma_wait3A_149 = arith.constant 0 : i32
        %dma_wait3A_150 = tpu.memref_slice %arg6[%add3A_29, %dma_wait3A_149] : memref<80x128xi32, #tpu.memory_space<vmem>> -> memref<1x128xi32, #tpu.memory_space<vmem>>
        %dma_wait3A_151 = tpu.memref_squeeze %dma_wait3A_150 : memref<1x128xi32, #tpu.memory_space<vmem>> -> memref<128xi32, #tpu.memory_space<vmem>>
        %dma_wait3A_152 = arith.constant 0 : i32
        %dma_wait3A_153 = arith.constant 0 : i32
        %dma_wait3A_154 = tpu.memref_slice %arg2[%dma_wait3A_152, %dma_wait3A_153] : memref<100352x8xf32, #tpu.memory_space<hbm>> -> memref<100352x8xf32, #tpu.memory_space<hbm>>
        tpu.wait_indirect_dma semaphore(%arg11 : memref<!tpu.dma_semaphore, #tpu.memory_space<semaphore_mem>>) src(%dma_wait3A_154 : memref<100352x8xf32, #tpu.memory_space<hbm>>) dst(%dma_wait3A_148 : memref<128x8xf32, #tpu.memory_space<vmem>>)
        %dma_wait3A_155 = arith.constant 1 : i32
        %dma_wait3A_156 = arith.constant 0 : i32
        %dma_wait3A_157 = arith.constant 0 : i32
        %dma_wait3A_158 = tpu.memref_slice %arg8[%dma_wait3A_155, %dma_wait3A_156, %dma_wait3A_157] : memref<8x128x8xf32, #tpu.memory_space<vmem>> -> memref<1x128x8xf32, #tpu.memory_space<vmem>>
        %dma_wait3A_159 = tpu.memref_squeeze %dma_wait3A_158 : memref<1x128x8xf32, #tpu.memory_space<vmem>> -> memref<128x8xf32, #tpu.memory_space<vmem>>
        %dma_wait3A_160 = arith.constant 0 : i32
        %dma_wait3A_161 = tpu.memref_slice %arg6[%add3A_43, %dma_wait3A_160] : memref<80x128xi32, #tpu.memory_space<vmem>> -> memref<1x128xi32, #tpu.memory_space<vmem>>
        %dma_wait3A_162 = tpu.memref_squeeze %dma_wait3A_161 : memref<1x128xi32, #tpu.memory_space<vmem>> -> memref<128xi32, #tpu.memory_space<vmem>>
        %dma_wait3A_163 = arith.constant 0 : i32
        %dma_wait3A_164 = arith.constant 0 : i32
        %dma_wait3A_165 = tpu.memref_slice %arg2[%dma_wait3A_163, %dma_wait3A_164] : memref<100352x8xf32, #tpu.memory_space<hbm>> -> memref<100352x8xf32, #tpu.memory_space<hbm>>
        tpu.wait_indirect_dma semaphore(%arg11 : memref<!tpu.dma_semaphore, #tpu.memory_space<semaphore_mem>>) src(%dma_wait3A_165 : memref<100352x8xf32, #tpu.memory_space<hbm>>) dst(%dma_wait3A_159 : memref<128x8xf32, #tpu.memory_space<vmem>>)
        %dma_wait3A_166 = arith.constant 2 : i32
        %dma_wait3A_167 = arith.constant 0 : i32
        %dma_wait3A_168 = arith.constant 0 : i32
        %dma_wait3A_169 = tpu.memref_slice %arg8[%dma_wait3A_166, %dma_wait3A_167, %dma_wait3A_168] : memref<8x128x8xf32, #tpu.memory_space<vmem>> -> memref<1x128x8xf32, #tpu.memory_space<vmem>>
        %dma_wait3A_170 = tpu.memref_squeeze %dma_wait3A_169 : memref<1x128x8xf32, #tpu.memory_space<vmem>> -> memref<128x8xf32, #tpu.memory_space<vmem>>
        %dma_wait3A_171 = arith.constant 0 : i32
        %dma_wait3A_172 = tpu.memref_slice %arg6[%add3A_58, %dma_wait3A_171] : memref<80x128xi32, #tpu.memory_space<vmem>> -> memref<1x128xi32, #tpu.memory_space<vmem>>
        %dma_wait3A_173 = tpu.memref_squeeze %dma_wait3A_172 : memref<1x128xi32, #tpu.memory_space<vmem>> -> memref<128xi32, #tpu.memory_space<vmem>>
        %dma_wait3A_174 = arith.constant 0 : i32
        %dma_wait3A_175 = arith.constant 0 : i32
        %dma_wait3A_176 = tpu.memref_slice %arg2[%dma_wait3A_174, %dma_wait3A_175] : memref<100352x8xf32, #tpu.memory_space<hbm>> -> memref<100352x8xf32, #tpu.memory_space<hbm>>
        tpu.wait_indirect_dma semaphore(%arg11 : memref<!tpu.dma_semaphore, #tpu.memory_space<semaphore_mem>>) src(%dma_wait3A_176 : memref<100352x8xf32, #tpu.memory_space<hbm>>) dst(%dma_wait3A_170 : memref<128x8xf32, #tpu.memory_space<vmem>>)
        %dma_wait3A_177 = arith.constant 3 : i32
        %dma_wait3A_178 = arith.constant 0 : i32
        %dma_wait3A_179 = arith.constant 0 : i32
        %dma_wait3A_180 = tpu.memref_slice %arg8[%dma_wait3A_177, %dma_wait3A_178, %dma_wait3A_179] : memref<8x128x8xf32, #tpu.memory_space<vmem>> -> memref<1x128x8xf32, #tpu.memory_space<vmem>>
        %dma_wait3A_181 = tpu.memref_squeeze %dma_wait3A_180 : memref<1x128x8xf32, #tpu.memory_space<vmem>> -> memref<128x8xf32, #tpu.memory_space<vmem>>
        %dma_wait3A_182 = arith.constant 0 : i32
        %dma_wait3A_183 = tpu.memref_slice %arg6[%add3A_73, %dma_wait3A_182] : memref<80x128xi32, #tpu.memory_space<vmem>> -> memref<1x128xi32, #tpu.memory_space<vmem>>
        %dma_wait3A_184 = tpu.memref_squeeze %dma_wait3A_183 : memref<1x128xi32, #tpu.memory_space<vmem>> -> memref<128xi32, #tpu.memory_space<vmem>>
        %dma_wait3A_185 = arith.constant 0 : i32
        %dma_wait3A_186 = arith.constant 0 : i32
        %dma_wait3A_187 = tpu.memref_slice %arg2[%dma_wait3A_185, %dma_wait3A_186] : memref<100352x8xf32, #tpu.memory_space<hbm>> -> memref<100352x8xf32, #tpu.memory_space<hbm>>
        tpu.wait_indirect_dma semaphore(%arg11 : memref<!tpu.dma_semaphore, #tpu.memory_space<semaphore_mem>>) src(%dma_wait3A_187 : memref<100352x8xf32, #tpu.memory_space<hbm>>) dst(%dma_wait3A_181 : memref<128x8xf32, #tpu.memory_space<vmem>>)
        %dma_wait3A_188 = arith.constant 4 : i32
        %dma_wait3A_189 = arith.constant 0 : i32
        %dma_wait3A_190 = arith.constant 0 : i32
        %dma_wait3A_191 = tpu.memref_slice %arg8[%dma_wait3A_188, %dma_wait3A_189, %dma_wait3A_190] : memref<8x128x8xf32, #tpu.memory_space<vmem>> -> memref<1x128x8xf32, #tpu.memory_space<vmem>>
        %dma_wait3A_192 = tpu.memref_squeeze %dma_wait3A_191 : memref<1x128x8xf32, #tpu.memory_space<vmem>> -> memref<128x8xf32, #tpu.memory_space<vmem>>
        %dma_wait3A_193 = arith.constant 0 : i32
        %dma_wait3A_194 = tpu.memref_slice %arg6[%add3A_88, %dma_wait3A_193] : memref<80x128xi32, #tpu.memory_space<vmem>> -> memref<1x128xi32, #tpu.memory_space<vmem>>
        %dma_wait3A_195 = tpu.memref_squeeze %dma_wait3A_194 : memref<1x128xi32, #tpu.memory_space<vmem>> -> memref<128xi32, #tpu.memory_space<vmem>>
        %dma_wait3A_196 = arith.constant 0 : i32
        %dma_wait3A_197 = arith.constant 0 : i32
        %dma_wait3A_198 = tpu.memref_slice %arg2[%dma_wait3A_196, %dma_wait3A_197] : memref<100352x8xf32, #tpu.memory_space<hbm>> -> memref<100352x8xf32, #tpu.memory_space<hbm>>
        tpu.wait_indirect_dma semaphore(%arg11 : memref<!tpu.dma_semaphore, #tpu.memory_space<semaphore_mem>>) src(%dma_wait3A_198 : memref<100352x8xf32, #tpu.memory_space<hbm>>) dst(%dma_wait3A_192 : memref<128x8xf32, #tpu.memory_space<vmem>>)
        %dma_wait3A_199 = arith.constant 5 : i32
        %dma_wait3A_200 = arith.constant 0 : i32
        %dma_wait3A_201 = arith.constant 0 : i32
        %dma_wait3A_202 = tpu.memref_slice %arg8[%dma_wait3A_199, %dma_wait3A_200, %dma_wait3A_201] : memref<8x128x8xf32, #tpu.memory_space<vmem>> -> memref<1x128x8xf32, #tpu.memory_space<vmem>>
        %dma_wait3A_203 = tpu.memref_squeeze %dma_wait3A_202 : memref<1x128x8xf32, #tpu.memory_space<vmem>> -> memref<128x8xf32, #tpu.memory_space<vmem>>
        %dma_wait3A_204 = arith.constant 0 : i32
        %dma_wait3A_205 = tpu.memref_slice %arg6[%add3A_103, %dma_wait3A_204] : memref<80x128xi32, #tpu.memory_space<vmem>> -> memref<1x128xi32, #tpu.memory_space<vmem>>
        %dma_wait3A_206 = tpu.memref_squeeze %dma_wait3A_205 : memref<1x128xi32, #tpu.memory_space<vmem>> -> memref<128xi32, #tpu.memory_space<vmem>>
        %dma_wait3A_207 = arith.constant 0 : i32
        %dma_wait3A_208 = arith.constant 0 : i32
        %dma_wait3A_209 = tpu.memref_slice %arg2[%dma_wait3A_207, %dma_wait3A_208] : memref<100352x8xf32, #tpu.memory_space<hbm>> -> memref<100352x8xf32, #tpu.memory_space<hbm>>
        tpu.wait_indirect_dma semaphore(%arg11 : memref<!tpu.dma_semaphore, #tpu.memory_space<semaphore_mem>>) src(%dma_wait3A_209 : memref<100352x8xf32, #tpu.memory_space<hbm>>) dst(%dma_wait3A_203 : memref<128x8xf32, #tpu.memory_space<vmem>>)
        %dma_wait3A_210 = arith.constant 6 : i32
        %dma_wait3A_211 = arith.constant 0 : i32
        %dma_wait3A_212 = arith.constant 0 : i32
        %dma_wait3A_213 = tpu.memref_slice %arg8[%dma_wait3A_210, %dma_wait3A_211, %dma_wait3A_212] : memref<8x128x8xf32, #tpu.memory_space<vmem>> -> memref<1x128x8xf32, #tpu.memory_space<vmem>>
        %dma_wait3A_214 = tpu.memref_squeeze %dma_wait3A_213 : memref<1x128x8xf32, #tpu.memory_space<vmem>> -> memref<128x8xf32, #tpu.memory_space<vmem>>
        %dma_wait3A_215 = arith.constant 0 : i32
        %dma_wait3A_216 = tpu.memref_slice %arg6[%add3A_118, %dma_wait3A_215] : memref<80x128xi32, #tpu.memory_space<vmem>> -> memref<1x128xi32, #tpu.memory_space<vmem>>
        %dma_wait3A_217 = tpu.memref_squeeze %dma_wait3A_216 : memref<1x128xi32, #tpu.memory_space<vmem>> -> memref<128xi32, #tpu.memory_space<vmem>>
        %dma_wait3A_218 = arith.constant 0 : i32
        %dma_wait3A_219 = arith.constant 0 : i32
        %dma_wait3A_220 = tpu.memref_slice %arg2[%dma_wait3A_218, %dma_wait3A_219] : memref<100352x8xf32, #tpu.memory_space<hbm>> -> memref<100352x8xf32, #tpu.memory_space<hbm>>
        tpu.wait_indirect_dma semaphore(%arg11 : memref<!tpu.dma_semaphore, #tpu.memory_space<semaphore_mem>>) src(%dma_wait3A_220 : memref<100352x8xf32, #tpu.memory_space<hbm>>) dst(%dma_wait3A_214 : memref<128x8xf32, #tpu.memory_space<vmem>>)
        %dma_wait3A_221 = arith.constant 7 : i32
        %dma_wait3A_222 = arith.constant 0 : i32
        %dma_wait3A_223 = arith.constant 0 : i32
        %dma_wait3A_224 = tpu.memref_slice %arg8[%dma_wait3A_221, %dma_wait3A_222, %dma_wait3A_223] : memref<8x128x8xf32, #tpu.memory_space<vmem>> -> memref<1x128x8xf32, #tpu.memory_space<vmem>>
        %dma_wait3A_225 = tpu.memref_squeeze %dma_wait3A_224 : memref<1x128x8xf32, #tpu.memory_space<vmem>> -> memref<128x8xf32, #tpu.memory_space<vmem>>
        %dma_wait3A_226 = arith.constant 0 : i32
        %dma_wait3A_227 = tpu.memref_slice %arg6[%add3A_133, %dma_wait3A_226] : memref<80x128xi32, #tpu.memory_space<vmem>> -> memref<1x128xi32, #tpu.memory_space<vmem>>
        %dma_wait3A_228 = tpu.memref_squeeze %dma_wait3A_227 : memref<1x128xi32, #tpu.memory_space<vmem>> -> memref<128xi32, #tpu.memory_space<vmem>>
        %dma_wait3A_229 = arith.constant 0 : i32
        %dma_wait3A_230 = arith.constant 0 : i32
        %dma_wait3A_231 = tpu.memref_slice %arg2[%dma_wait3A_229, %dma_wait3A_230] : memref<100352x8xf32, #tpu.memory_space<hbm>> -> memref<100352x8xf32, #tpu.memory_space<hbm>>
        tpu.wait_indirect_dma semaphore(%arg11 : memref<!tpu.dma_semaphore, #tpu.memory_space<semaphore_mem>>) src(%dma_wait3A_231 : memref<100352x8xf32, #tpu.memory_space<hbm>>) dst(%dma_wait3A_225 : memref<128x8xf32, #tpu.memory_space<vmem>>)
        %mul3A_232 = arith.constant 8 : i32
        %mul3A_233 = arith.muli %scan3A_25, %mul3A_232 : i32
        %add3A_234 = arith.constant 0 : i32
        %add3A_235 = arith.addi %mul3A_233, %add3A_234 : i32
        %run_scoped3A = arith.constant 0 : i32
        "tpu.region"() ({
          %run_scoped3A_271 = tpu.sem_alloc : memref<!tpu.dma_semaphore, #tpu.memory_space<semaphore_mem>>
          %dma_start3A_272 = arith.constant 0 : i32
          %dma_start3A_273 = arith.constant 0 : i32
          %dma_start3A_274 = tpu.memref_slice %arg8[%run_scoped3A, %dma_start3A_272, %dma_start3A_273] : memref<8x128x8xf32, #tpu.memory_space<vmem>> -> memref<1x128x8xf32, #tpu.memory_space<vmem>>
          %dma_start3A_275 = tpu.memref_squeeze %dma_start3A_274 : memref<1x128x8xf32, #tpu.memory_space<vmem>> -> memref<128x8xf32, #tpu.memory_space<vmem>>
          %dma_start3A_276 = arith.constant 0 : i32
          %dma_start3A_277 = tpu.memref_slice %arg7[%add3A_235, %dma_start3A_276] : memref<80x128xi32, #tpu.memory_space<vmem>> -> memref<1x128xi32, #tpu.memory_space<vmem>>
          %dma_start3A_278 = tpu.memref_squeeze %dma_start3A_277 : memref<1x128xi32, #tpu.memory_space<vmem>> -> memref<128xi32, #tpu.memory_space<vmem>>
          %dma_start3A_279 = arith.constant 0 : i32
          %dma_start3A_280 = arith.constant 0 : i32
          %dma_start3A_281 = tpu.memref_slice %arg10[%dma_start3A_279, %dma_start3A_280] : memref<100352x8xf32, #tpu.memory_space<vmem_shared>> -> memref<100352x8xf32, #tpu.memory_space<vmem_shared>>
          tpu.enqueue_indirect_dma source(%dma_start3A_275 : memref<128x8xf32, #tpu.memory_space<vmem>>) target(%dma_start3A_281 : memref<100352x8xf32, #tpu.memory_space<vmem_shared>>) offsets(%dma_start3A_278 : memref<128xi32, #tpu.memory_space<vmem>>) semaphore(%run_scoped3A_271 : memref<!tpu.dma_semaphore, #tpu.memory_space<semaphore_mem>>) {add = true}
          %dma_wait3A_282 = arith.constant 0 : i32
          %dma_wait3A_283 = arith.constant 0 : i32
          %dma_wait3A_284 = tpu.memref_slice %arg8[%run_scoped3A, %dma_wait3A_282, %dma_wait3A_283] : memref<8x128x8xf32, #tpu.memory_space<vmem>> -> memref<1x128x8xf32, #tpu.memory_space<vmem>>
          %dma_wait3A_285 = tpu.memref_squeeze %dma_wait3A_284 : memref<1x128x8xf32, #tpu.memory_space<vmem>> -> memref<128x8xf32, #tpu.memory_space<vmem>>
          %dma_wait3A_286 = arith.constant 0 : i32
          %dma_wait3A_287 = tpu.memref_slice %arg7[%add3A_235, %dma_wait3A_286] : memref<80x128xi32, #tpu.memory_space<vmem>> -> memref<1x128xi32, #tpu.memory_space<vmem>>
          %dma_wait3A_288 = tpu.memref_squeeze %dma_wait3A_287 : memref<1x128xi32, #tpu.memory_space<vmem>> -> memref<128xi32, #tpu.memory_space<vmem>>
          %dma_wait3A_289 = arith.constant 0 : i32
          %dma_wait3A_290 = arith.constant 0 : i32
          %dma_wait3A_291 = tpu.memref_slice %arg10[%dma_wait3A_289, %dma_wait3A_290] : memref<100352x8xf32, #tpu.memory_space<vmem_shared>> -> memref<100352x8xf32, #tpu.memory_space<vmem_shared>>
          tpu.wait_indirect_dma semaphore(%run_scoped3A_271 : memref<!tpu.dma_semaphore, #tpu.memory_space<semaphore_mem>>) src(%dma_wait3A_285 : memref<128x8xf32, #tpu.memory_space<vmem>>) dst(%dma_wait3A_291 : memref<100352x8xf32, #tpu.memory_space<vmem_shared>>)
          tpu.yield
        }) : () -> ()
        %mul3A_236 = arith.constant 8 : i32
        %mul3A_237 = arith.muli %scan3A_25, %mul3A_236 : i32
        %add3A_238 = arith.constant 1 : i32
        %add3A_239 = arith.addi %mul3A_237, %add3A_238 : i32
        %run_scoped3A_240 = arith.constant 1 : i32
        "tpu.region"() ({
          %run_scoped3A_271 = tpu.sem_alloc : memref<!tpu.dma_semaphore, #tpu.memory_space<semaphore_mem>>
          %dma_start3A_272 = arith.constant 0 : i32
          %dma_start3A_273 = arith.constant 0 : i32
          %dma_start3A_274 = tpu.memref_slice %arg8[%run_scoped3A_240, %dma_start3A_272, %dma_start3A_273] : memref<8x128x8xf32, #tpu.memory_space<vmem>> -> memref<1x128x8xf32, #tpu.memory_space<vmem>>
          %dma_start3A_275 = tpu.memref_squeeze %dma_start3A_274 : memref<1x128x8xf32, #tpu.memory_space<vmem>> -> memref<128x8xf32, #tpu.memory_space<vmem>>
          %dma_start3A_276 = arith.constant 0 : i32
          %dma_start3A_277 = tpu.memref_slice %arg7[%add3A_239, %dma_start3A_276] : memref<80x128xi32, #tpu.memory_space<vmem>> -> memref<1x128xi32, #tpu.memory_space<vmem>>
          %dma_start3A_278 = tpu.memref_squeeze %dma_start3A_277 : memref<1x128xi32, #tpu.memory_space<vmem>> -> memref<128xi32, #tpu.memory_space<vmem>>
          %dma_start3A_279 = arith.constant 0 : i32
          %dma_start3A_280 = arith.constant 0 : i32
          %dma_start3A_281 = tpu.memref_slice %arg10[%dma_start3A_279, %dma_start3A_280] : memref<100352x8xf32, #tpu.memory_space<vmem_shared>> -> memref<100352x8xf32, #tpu.memory_space<vmem_shared>>
          tpu.enqueue_indirect_dma source(%dma_start3A_275 : memref<128x8xf32, #tpu.memory_space<vmem>>) target(%dma_start3A_281 : memref<100352x8xf32, #tpu.memory_space<vmem_shared>>) offsets(%dma_start3A_278 : memref<128xi32, #tpu.memory_space<vmem>>) semaphore(%run_scoped3A_271 : memref<!tpu.dma_semaphore, #tpu.memory_space<semaphore_mem>>) {add = true}
          %dma_wait3A_282 = arith.constant 0 : i32
          %dma_wait3A_283 = arith.constant 0 : i32
          %dma_wait3A_284 = tpu.memref_slice %arg8[%run_scoped3A_240, %dma_wait3A_282, %dma_wait3A_283] : memref<8x128x8xf32, #tpu.memory_space<vmem>> -> memref<1x128x8xf32, #tpu.memory_space<vmem>>
          %dma_wait3A_285 = tpu.memref_squeeze %dma_wait3A_284 : memref<1x128x8xf32, #tpu.memory_space<vmem>> -> memref<128x8xf32, #tpu.memory_space<vmem>>
          %dma_wait3A_286 = arith.constant 0 : i32
          %dma_wait3A_287 = tpu.memref_slice %arg7[%add3A_239, %dma_wait3A_286] : memref<80x128xi32, #tpu.memory_space<vmem>> -> memref<1x128xi32, #tpu.memory_space<vmem>>
          %dma_wait3A_288 = tpu.memref_squeeze %dma_wait3A_287 : memref<1x128xi32, #tpu.memory_space<vmem>> -> memref<128xi32, #tpu.memory_space<vmem>>
          %dma_wait3A_289 = arith.constant 0 : i32
          %dma_wait3A_290 = arith.constant 0 : i32
          %dma_wait3A_291 = tpu.memref_slice %arg10[%dma_wait3A_289, %dma_wait3A_290] : memref<100352x8xf32, #tpu.memory_space<vmem_shared>> -> memref<100352x8xf32, #tpu.memory_space<vmem_shared>>
          tpu.wait_indirect_dma semaphore(%run_scoped3A_271 : memref<!tpu.dma_semaphore, #tpu.memory_space<semaphore_mem>>) src(%dma_wait3A_285 : memref<128x8xf32, #tpu.memory_space<vmem>>) dst(%dma_wait3A_291 : memref<100352x8xf32, #tpu.memory_space<vmem_shared>>)
          tpu.yield
        }) : () -> ()
        %mul3A_241 = arith.constant 8 : i32
        %mul3A_242 = arith.muli %scan3A_25, %mul3A_241 : i32
        %add3A_243 = arith.constant 2 : i32
        %add3A_244 = arith.addi %mul3A_242, %add3A_243 : i32
        %run_scoped3A_245 = arith.constant 2 : i32
        "tpu.region"() ({
          %run_scoped3A_271 = tpu.sem_alloc : memref<!tpu.dma_semaphore, #tpu.memory_space<semaphore_mem>>
          %dma_start3A_272 = arith.constant 0 : i32
          %dma_start3A_273 = arith.constant 0 : i32
          %dma_start3A_274 = tpu.memref_slice %arg8[%run_scoped3A_245, %dma_start3A_272, %dma_start3A_273] : memref<8x128x8xf32, #tpu.memory_space<vmem>> -> memref<1x128x8xf32, #tpu.memory_space<vmem>>
          %dma_start3A_275 = tpu.memref_squeeze %dma_start3A_274 : memref<1x128x8xf32, #tpu.memory_space<vmem>> -> memref<128x8xf32, #tpu.memory_space<vmem>>
          %dma_start3A_276 = arith.constant 0 : i32
          %dma_start3A_277 = tpu.memref_slice %arg7[%add3A_244, %dma_start3A_276] : memref<80x128xi32, #tpu.memory_space<vmem>> -> memref<1x128xi32, #tpu.memory_space<vmem>>
          %dma_start3A_278 = tpu.memref_squeeze %dma_start3A_277 : memref<1x128xi32, #tpu.memory_space<vmem>> -> memref<128xi32, #tpu.memory_space<vmem>>
          %dma_start3A_279 = arith.constant 0 : i32
          %dma_start3A_280 = arith.constant 0 : i32
          %dma_start3A_281 = tpu.memref_slice %arg10[%dma_start3A_279, %dma_start3A_280] : memref<100352x8xf32, #tpu.memory_space<vmem_shared>> -> memref<100352x8xf32, #tpu.memory_space<vmem_shared>>
          tpu.enqueue_indirect_dma source(%dma_start3A_275 : memref<128x8xf32, #tpu.memory_space<vmem>>) target(%dma_start3A_281 : memref<100352x8xf32, #tpu.memory_space<vmem_shared>>) offsets(%dma_start3A_278 : memref<128xi32, #tpu.memory_space<vmem>>) semaphore(%run_scoped3A_271 : memref<!tpu.dma_semaphore, #tpu.memory_space<semaphore_mem>>) {add = true}
          %dma_wait3A_282 = arith.constant 0 : i32
          %dma_wait3A_283 = arith.constant 0 : i32
          %dma_wait3A_284 = tpu.memref_slice %arg8[%run_scoped3A_245, %dma_wait3A_282, %dma_wait3A_283] : memref<8x128x8xf32, #tpu.memory_space<vmem>> -> memref<1x128x8xf32, #tpu.memory_space<vmem>>
          %dma_wait3A_285 = tpu.memref_squeeze %dma_wait3A_284 : memref<1x128x8xf32, #tpu.memory_space<vmem>> -> memref<128x8xf32, #tpu.memory_space<vmem>>
          %dma_wait3A_286 = arith.constant 0 : i32
          %dma_wait3A_287 = tpu.memref_slice %arg7[%add3A_244, %dma_wait3A_286] : memref<80x128xi32, #tpu.memory_space<vmem>> -> memref<1x128xi32, #tpu.memory_space<vmem>>
          %dma_wait3A_288 = tpu.memref_squeeze %dma_wait3A_287 : memref<1x128xi32, #tpu.memory_space<vmem>> -> memref<128xi32, #tpu.memory_space<vmem>>
          %dma_wait3A_289 = arith.constant 0 : i32
          %dma_wait3A_290 = arith.constant 0 : i32
          %dma_wait3A_291 = tpu.memref_slice %arg10[%dma_wait3A_289, %dma_wait3A_290] : memref<100352x8xf32, #tpu.memory_space<vmem_shared>> -> memref<100352x8xf32, #tpu.memory_space<vmem_shared>>
          tpu.wait_indirect_dma semaphore(%run_scoped3A_271 : memref<!tpu.dma_semaphore, #tpu.memory_space<semaphore_mem>>) src(%dma_wait3A_285 : memref<128x8xf32, #tpu.memory_space<vmem>>) dst(%dma_wait3A_291 : memref<100352x8xf32, #tpu.memory_space<vmem_shared>>)
          tpu.yield
        }) : () -> ()
        %mul3A_246 = arith.constant 8 : i32
        %mul3A_247 = arith.muli %scan3A_25, %mul3A_246 : i32
        %add3A_248 = arith.constant 3 : i32
        %add3A_249 = arith.addi %mul3A_247, %add3A_248 : i32
        %run_scoped3A_250 = arith.constant 3 : i32
        "tpu.region"() ({
          %run_scoped3A_271 = tpu.sem_alloc : memref<!tpu.dma_semaphore, #tpu.memory_space<semaphore_mem>>
          %dma_start3A_272 = arith.constant 0 : i32
          %dma_start3A_273 = arith.constant 0 : i32
          %dma_start3A_274 = tpu.memref_slice %arg8[%run_scoped3A_250, %dma_start3A_272, %dma_start3A_273] : memref<8x128x8xf32, #tpu.memory_space<vmem>> -> memref<1x128x8xf32, #tpu.memory_space<vmem>>
          %dma_start3A_275 = tpu.memref_squeeze %dma_start3A_274 : memref<1x128x8xf32, #tpu.memory_space<vmem>> -> memref<128x8xf32, #tpu.memory_space<vmem>>
          %dma_start3A_276 = arith.constant 0 : i32
          %dma_start3A_277 = tpu.memref_slice %arg7[%add3A_249, %dma_start3A_276] : memref<80x128xi32, #tpu.memory_space<vmem>> -> memref<1x128xi32, #tpu.memory_space<vmem>>
          %dma_start3A_278 = tpu.memref_squeeze %dma_start3A_277 : memref<1x128xi32, #tpu.memory_space<vmem>> -> memref<128xi32, #tpu.memory_space<vmem>>
          %dma_start3A_279 = arith.constant 0 : i32
          %dma_start3A_280 = arith.constant 0 : i32
          %dma_start3A_281 = tpu.memref_slice %arg10[%dma_start3A_279, %dma_start3A_280] : memref<100352x8xf32, #tpu.memory_space<vmem_shared>> -> memref<100352x8xf32, #tpu.memory_space<vmem_shared>>
          tpu.enqueue_indirect_dma source(%dma_start3A_275 : memref<128x8xf32, #tpu.memory_space<vmem>>) target(%dma_start3A_281 : memref<100352x8xf32, #tpu.memory_space<vmem_shared>>) offsets(%dma_start3A_278 : memref<128xi32, #tpu.memory_space<vmem>>) semaphore(%run_scoped3A_271 : memref<!tpu.dma_semaphore, #tpu.memory_space<semaphore_mem>>) {add = true}
          %dma_wait3A_282 = arith.constant 0 : i32
          %dma_wait3A_283 = arith.constant 0 : i32
          %dma_wait3A_284 = tpu.memref_slice %arg8[%run_scoped3A_250, %dma_wait3A_282, %dma_wait3A_283] : memref<8x128x8xf32, #tpu.memory_space<vmem>> -> memref<1x128x8xf32, #tpu.memory_space<vmem>>
          %dma_wait3A_285 = tpu.memref_squeeze %dma_wait3A_284 : memref<1x128x8xf32, #tpu.memory_space<vmem>> -> memref<128x8xf32, #tpu.memory_space<vmem>>
          %dma_wait3A_286 = arith.constant 0 : i32
          %dma_wait3A_287 = tpu.memref_slice %arg7[%add3A_249, %dma_wait3A_286] : memref<80x128xi32, #tpu.memory_space<vmem>> -> memref<1x128xi32, #tpu.memory_space<vmem>>
          %dma_wait3A_288 = tpu.memref_squeeze %dma_wait3A_287 : memref<1x128xi32, #tpu.memory_space<vmem>> -> memref<128xi32, #tpu.memory_space<vmem>>
          %dma_wait3A_289 = arith.constant 0 : i32
          %dma_wait3A_290 = arith.constant 0 : i32
          %dma_wait3A_291 = tpu.memref_slice %arg10[%dma_wait3A_289, %dma_wait3A_290] : memref<100352x8xf32, #tpu.memory_space<vmem_shared>> -> memref<100352x8xf32, #tpu.memory_space<vmem_shared>>
          tpu.wait_indirect_dma semaphore(%run_scoped3A_271 : memref<!tpu.dma_semaphore, #tpu.memory_space<semaphore_mem>>) src(%dma_wait3A_285 : memref<128x8xf32, #tpu.memory_space<vmem>>) dst(%dma_wait3A_291 : memref<100352x8xf32, #tpu.memory_space<vmem_shared>>)
          tpu.yield
        }) : () -> ()
        %mul3A_251 = arith.constant 8 : i32
        %mul3A_252 = arith.muli %scan3A_25, %mul3A_251 : i32
        %add3A_253 = arith.constant 4 : i32
        %add3A_254 = arith.addi %mul3A_252, %add3A_253 : i32
        %run_scoped3A_255 = arith.constant 4 : i32
        "tpu.region"() ({
          %run_scoped3A_271 = tpu.sem_alloc : memref<!tpu.dma_semaphore, #tpu.memory_space<semaphore_mem>>
          %dma_start3A_272 = arith.constant 0 : i32
          %dma_start3A_273 = arith.constant 0 : i32
          %dma_start3A_274 = tpu.memref_slice %arg8[%run_scoped3A_255, %dma_start3A_272, %dma_start3A_273] : memref<8x128x8xf32, #tpu.memory_space<vmem>> -> memref<1x128x8xf32, #tpu.memory_space<vmem>>
          %dma_start3A_275 = tpu.memref_squeeze %dma_start3A_274 : memref<1x128x8xf32, #tpu.memory_space<vmem>> -> memref<128x8xf32, #tpu.memory_space<vmem>>
          %dma_start3A_276 = arith.constant 0 : i32
          %dma_start3A_277 = tpu.memref_slice %arg7[%add3A_254, %dma_start3A_276] : memref<80x128xi32, #tpu.memory_space<vmem>> -> memref<1x128xi32, #tpu.memory_space<vmem>>
          %dma_start3A_278 = tpu.memref_squeeze %dma_start3A_277 : memref<1x128xi32, #tpu.memory_space<vmem>> -> memref<128xi32, #tpu.memory_space<vmem>>
          %dma_start3A_279 = arith.constant 0 : i32
          %dma_start3A_280 = arith.constant 0 : i32
          %dma_start3A_281 = tpu.memref_slice %arg10[%dma_start3A_279, %dma_start3A_280] : memref<100352x8xf32, #tpu.memory_space<vmem_shared>> -> memref<100352x8xf32, #tpu.memory_space<vmem_shared>>
          tpu.enqueue_indirect_dma source(%dma_start3A_275 : memref<128x8xf32, #tpu.memory_space<vmem>>) target(%dma_start3A_281 : memref<100352x8xf32, #tpu.memory_space<vmem_shared>>) offsets(%dma_start3A_278 : memref<128xi32, #tpu.memory_space<vmem>>) semaphore(%run_scoped3A_271 : memref<!tpu.dma_semaphore, #tpu.memory_space<semaphore_mem>>) {add = true}
          %dma_wait3A_282 = arith.constant 0 : i32
          %dma_wait3A_283 = arith.constant 0 : i32
          %dma_wait3A_284 = tpu.memref_slice %arg8[%run_scoped3A_255, %dma_wait3A_282, %dma_wait3A_283] : memref<8x128x8xf32, #tpu.memory_space<vmem>> -> memref<1x128x8xf32, #tpu.memory_space<vmem>>
          %dma_wait3A_285 = tpu.memref_squeeze %dma_wait3A_284 : memref<1x128x8xf32, #tpu.memory_space<vmem>> -> memref<128x8xf32, #tpu.memory_space<vmem>>
          %dma_wait3A_286 = arith.constant 0 : i32
          %dma_wait3A_287 = tpu.memref_slice %arg7[%add3A_254, %dma_wait3A_286] : memref<80x128xi32, #tpu.memory_space<vmem>> -> memref<1x128xi32, #tpu.memory_space<vmem>>
          %dma_wait3A_288 = tpu.memref_squeeze %dma_wait3A_287 : memref<1x128xi32, #tpu.memory_space<vmem>> -> memref<128xi32, #tpu.memory_space<vmem>>
          %dma_wait3A_289 = arith.constant 0 : i32
          %dma_wait3A_290 = arith.constant 0 : i32
          %dma_wait3A_291 = tpu.memref_slice %arg10[%dma_wait3A_289, %dma_wait3A_290] : memref<100352x8xf32, #tpu.memory_space<vmem_shared>> -> memref<100352x8xf32, #tpu.memory_space<vmem_shared>>
          tpu.wait_indirect_dma semaphore(%run_scoped3A_271 : memref<!tpu.dma_semaphore, #tpu.memory_space<semaphore_mem>>) src(%dma_wait3A_285 : memref<128x8xf32, #tpu.memory_space<vmem>>) dst(%dma_wait3A_291 : memref<100352x8xf32, #tpu.memory_space<vmem_shared>>)
          tpu.yield
        }) : () -> ()
        %mul3A_256 = arith.constant 8 : i32
        %mul3A_257 = arith.muli %scan3A_25, %mul3A_256 : i32
        %add3A_258 = arith.constant 5 : i32
        %add3A_259 = arith.addi %mul3A_257, %add3A_258 : i32
        %run_scoped3A_260 = arith.constant 5 : i32
        "tpu.region"() ({
          %run_scoped3A_271 = tpu.sem_alloc : memref<!tpu.dma_semaphore, #tpu.memory_space<semaphore_mem>>
          %dma_start3A_272 = arith.constant 0 : i32
          %dma_start3A_273 = arith.constant 0 : i32
          %dma_start3A_274 = tpu.memref_slice %arg8[%run_scoped3A_260, %dma_start3A_272, %dma_start3A_273] : memref<8x128x8xf32, #tpu.memory_space<vmem>> -> memref<1x128x8xf32, #tpu.memory_space<vmem>>
          %dma_start3A_275 = tpu.memref_squeeze %dma_start3A_274 : memref<1x128x8xf32, #tpu.memory_space<vmem>> -> memref<128x8xf32, #tpu.memory_space<vmem>>
          %dma_start3A_276 = arith.constant 0 : i32
          %dma_start3A_277 = tpu.memref_slice %arg7[%add3A_259, %dma_start3A_276] : memref<80x128xi32, #tpu.memory_space<vmem>> -> memref<1x128xi32, #tpu.memory_space<vmem>>
          %dma_start3A_278 = tpu.memref_squeeze %dma_start3A_277 : memref<1x128xi32, #tpu.memory_space<vmem>> -> memref<128xi32, #tpu.memory_space<vmem>>
          %dma_start3A_279 = arith.constant 0 : i32
          %dma_start3A_280 = arith.constant 0 : i32
          %dma_start3A_281 = tpu.memref_slice %arg10[%dma_start3A_279, %dma_start3A_280] : memref<100352x8xf32, #tpu.memory_space<vmem_shared>> -> memref<100352x8xf32, #tpu.memory_space<vmem_shared>>
          tpu.enqueue_indirect_dma source(%dma_start3A_275 : memref<128x8xf32, #tpu.memory_space<vmem>>) target(%dma_start3A_281 : memref<100352x8xf32, #tpu.memory_space<vmem_shared>>) offsets(%dma_start3A_278 : memref<128xi32, #tpu.memory_space<vmem>>) semaphore(%run_scoped3A_271 : memref<!tpu.dma_semaphore, #tpu.memory_space<semaphore_mem>>) {add = true}
          %dma_wait3A_282 = arith.constant 0 : i32
          %dma_wait3A_283 = arith.constant 0 : i32
          %dma_wait3A_284 = tpu.memref_slice %arg8[%run_scoped3A_260, %dma_wait3A_282, %dma_wait3A_283] : memref<8x128x8xf32, #tpu.memory_space<vmem>> -> memref<1x128x8xf32, #tpu.memory_space<vmem>>
          %dma_wait3A_285 = tpu.memref_squeeze %dma_wait3A_284 : memref<1x128x8xf32, #tpu.memory_space<vmem>> -> memref<128x8xf32, #tpu.memory_space<vmem>>
          %dma_wait3A_286 = arith.constant 0 : i32
          %dma_wait3A_287 = tpu.memref_slice %arg7[%add3A_259, %dma_wait3A_286] : memref<80x128xi32, #tpu.memory_space<vmem>> -> memref<1x128xi32, #tpu.memory_space<vmem>>
          %dma_wait3A_288 = tpu.memref_squeeze %dma_wait3A_287 : memref<1x128xi32, #tpu.memory_space<vmem>> -> memref<128xi32, #tpu.memory_space<vmem>>
          %dma_wait3A_289 = arith.constant 0 : i32
          %dma_wait3A_290 = arith.constant 0 : i32
          %dma_wait3A_291 = tpu.memref_slice %arg10[%dma_wait3A_289, %dma_wait3A_290] : memref<100352x8xf32, #tpu.memory_space<vmem_shared>> -> memref<100352x8xf32, #tpu.memory_space<vmem_shared>>
          tpu.wait_indirect_dma semaphore(%run_scoped3A_271 : memref<!tpu.dma_semaphore, #tpu.memory_space<semaphore_mem>>) src(%dma_wait3A_285 : memref<128x8xf32, #tpu.memory_space<vmem>>) dst(%dma_wait3A_291 : memref<100352x8xf32, #tpu.memory_space<vmem_shared>>)
          tpu.yield
        }) : () -> ()
        %mul3A_261 = arith.constant 8 : i32
        %mul3A_262 = arith.muli %scan3A_25, %mul3A_261 : i32
        %add3A_263 = arith.constant 6 : i32
        %add3A_264 = arith.addi %mul3A_262, %add3A_263 : i32
        %run_scoped3A_265 = arith.constant 6 : i32
        "tpu.region"() ({
          %run_scoped3A_271 = tpu.sem_alloc : memref<!tpu.dma_semaphore, #tpu.memory_space<semaphore_mem>>
          %dma_start3A_272 = arith.constant 0 : i32
          %dma_start3A_273 = arith.constant 0 : i32
          %dma_start3A_274 = tpu.memref_slice %arg8[%run_scoped3A_265, %dma_start3A_272, %dma_start3A_273] : memref<8x128x8xf32, #tpu.memory_space<vmem>> -> memref<1x128x8xf32, #tpu.memory_space<vmem>>
          %dma_start3A_275 = tpu.memref_squeeze %dma_start3A_274 : memref<1x128x8xf32, #tpu.memory_space<vmem>> -> memref<128x8xf32, #tpu.memory_space<vmem>>
          %dma_start3A_276 = arith.constant 0 : i32
          %dma_start3A_277 = tpu.memref_slice %arg7[%add3A_264, %dma_start3A_276] : memref<80x128xi32, #tpu.memory_space<vmem>> -> memref<1x128xi32, #tpu.memory_space<vmem>>
          %dma_start3A_278 = tpu.memref_squeeze %dma_start3A_277 : memref<1x128xi32, #tpu.memory_space<vmem>> -> memref<128xi32, #tpu.memory_space<vmem>>
          %dma_start3A_279 = arith.constant 0 : i32
          %dma_start3A_280 = arith.constant 0 : i32
          %dma_start3A_281 = tpu.memref_slice %arg10[%dma_start3A_279, %dma_start3A_280] : memref<100352x8xf32, #tpu.memory_space<vmem_shared>> -> memref<100352x8xf32, #tpu.memory_space<vmem_shared>>
          tpu.enqueue_indirect_dma source(%dma_start3A_275 : memref<128x8xf32, #tpu.memory_space<vmem>>) target(%dma_start3A_281 : memref<100352x8xf32, #tpu.memory_space<vmem_shared>>) offsets(%dma_start3A_278 : memref<128xi32, #tpu.memory_space<vmem>>) semaphore(%run_scoped3A_271 : memref<!tpu.dma_semaphore, #tpu.memory_space<semaphore_mem>>) {add = true}
          %dma_wait3A_282 = arith.constant 0 : i32
          %dma_wait3A_283 = arith.constant 0 : i32
          %dma_wait3A_284 = tpu.memref_slice %arg8[%run_scoped3A_265, %dma_wait3A_282, %dma_wait3A_283] : memref<8x128x8xf32, #tpu.memory_space<vmem>> -> memref<1x128x8xf32, #tpu.memory_space<vmem>>
          %dma_wait3A_285 = tpu.memref_squeeze %dma_wait3A_284 : memref<1x128x8xf32, #tpu.memory_space<vmem>> -> memref<128x8xf32, #tpu.memory_space<vmem>>
          %dma_wait3A_286 = arith.constant 0 : i32
          %dma_wait3A_287 = tpu.memref_slice %arg7[%add3A_264, %dma_wait3A_286] : memref<80x128xi32, #tpu.memory_space<vmem>> -> memref<1x128xi32, #tpu.memory_space<vmem>>
          %dma_wait3A_288 = tpu.memref_squeeze %dma_wait3A_287 : memref<1x128xi32, #tpu.memory_space<vmem>> -> memref<128xi32, #tpu.memory_space<vmem>>
          %dma_wait3A_289 = arith.constant 0 : i32
          %dma_wait3A_290 = arith.constant 0 : i32
          %dma_wait3A_291 = tpu.memref_slice %arg10[%dma_wait3A_289, %dma_wait3A_290] : memref<100352x8xf32, #tpu.memory_space<vmem_shared>> -> memref<100352x8xf32, #tpu.memory_space<vmem_shared>>
          tpu.wait_indirect_dma semaphore(%run_scoped3A_271 : memref<!tpu.dma_semaphore, #tpu.memory_space<semaphore_mem>>) src(%dma_wait3A_285 : memref<128x8xf32, #tpu.memory_space<vmem>>) dst(%dma_wait3A_291 : memref<100352x8xf32, #tpu.memory_space<vmem_shared>>)
          tpu.yield
        }) : () -> ()
        %mul3A_266 = arith.constant 8 : i32
        %mul3A_267 = arith.muli %scan3A_25, %mul3A_266 : i32
        %add3A_268 = arith.constant 7 : i32
        %add3A_269 = arith.addi %mul3A_267, %add3A_268 : i32
        %run_scoped3A_270 = arith.constant 7 : i32
        "tpu.region"() ({
          %run_scoped3A_271 = tpu.sem_alloc : memref<!tpu.dma_semaphore, #tpu.memory_space<semaphore_mem>>
          %dma_start3A_272 = arith.constant 0 : i32
          %dma_start3A_273 = arith.constant 0 : i32
          %dma_start3A_274 = tpu.memref_slice %arg8[%run_scoped3A_270, %dma_start3A_272, %dma_start3A_273] : memref<8x128x8xf32, #tpu.memory_space<vmem>> -> memref<1x128x8xf32, #tpu.memory_space<vmem>>
          %dma_start3A_275 = tpu.memref_squeeze %dma_start3A_274 : memref<1x128x8xf32, #tpu.memory_space<vmem>> -> memref<128x8xf32, #tpu.memory_space<vmem>>
          %dma_start3A_276 = arith.constant 0 : i32
          %dma_start3A_277 = tpu.memref_slice %arg7[%add3A_269, %dma_start3A_276] : memref<80x128xi32, #tpu.memory_space<vmem>> -> memref<1x128xi32, #tpu.memory_space<vmem>>
          %dma_start3A_278 = tpu.memref_squeeze %dma_start3A_277 : memref<1x128xi32, #tpu.memory_space<vmem>> -> memref<128xi32, #tpu.memory_space<vmem>>
          %dma_start3A_279 = arith.constant 0 : i32
          %dma_start3A_280 = arith.constant 0 : i32
          %dma_start3A_281 = tpu.memref_slice %arg10[%dma_start3A_279, %dma_start3A_280] : memref<100352x8xf32, #tpu.memory_space<vmem_shared>> -> memref<100352x8xf32, #tpu.memory_space<vmem_shared>>
          tpu.enqueue_indirect_dma source(%dma_start3A_275 : memref<128x8xf32, #tpu.memory_space<vmem>>) target(%dma_start3A_281 : memref<100352x8xf32, #tpu.memory_space<vmem_shared>>) offsets(%dma_start3A_278 : memref<128xi32, #tpu.memory_space<vmem>>) semaphore(%run_scoped3A_271 : memref<!tpu.dma_semaphore, #tpu.memory_space<semaphore_mem>>) {add = true}
          %dma_wait3A_282 = arith.constant 0 : i32
          %dma_wait3A_283 = arith.constant 0 : i32
          %dma_wait3A_284 = tpu.memref_slice %arg8[%run_scoped3A_270, %dma_wait3A_282, %dma_wait3A_283] : memref<8x128x8xf32, #tpu.memory_space<vmem>> -> memref<1x128x8xf32, #tpu.memory_space<vmem>>
          %dma_wait3A_285 = tpu.memref_squeeze %dma_wait3A_284 : memref<1x128x8xf32, #tpu.memory_space<vmem>> -> memref<128x8xf32, #tpu.memory_space<vmem>>
          %dma_wait3A_286 = arith.constant 0 : i32
          %dma_wait3A_287 = tpu.memref_slice %arg7[%add3A_269, %dma_wait3A_286] : memref<80x128xi32, #tpu.memory_space<vmem>> -> memref<1x128xi32, #tpu.memory_space<vmem>>
          %dma_wait3A_288 = tpu.memref_squeeze %dma_wait3A_287 : memref<1x128xi32, #tpu.memory_space<vmem>> -> memref<128xi32, #tpu.memory_space<vmem>>
          %dma_wait3A_289 = arith.constant 0 : i32
          %dma_wait3A_290 = arith.constant 0 : i32
          %dma_wait3A_291 = tpu.memref_slice %arg10[%dma_wait3A_289, %dma_wait3A_290] : memref<100352x8xf32, #tpu.memory_space<vmem_shared>> -> memref<100352x8xf32, #tpu.memory_space<vmem_shared>>
          tpu.wait_indirect_dma semaphore(%run_scoped3A_271 : memref<!tpu.dma_semaphore, #tpu.memory_space<semaphore_mem>>) src(%dma_wait3A_285 : memref<128x8xf32, #tpu.memory_space<vmem>>) dst(%dma_wait3A_291 : memref<100352x8xf32, #tpu.memory_space<vmem_shared>>)
          tpu.yield
        }) : () -> ()
      }
      %scan3A_24 = arith.constant 10 : i32
    }
    %scan3A_9 = arith.constant 10 : i32
    %barrier3A_10 = arith.constant 0 : index
    tpu.barrier barrier_id(%barrier3A_10)
    %mul3A_11 = arith.constant 100352 : i32
    %mul3A_12 = arith.muli %arg0, %mul3A_11 : i32
    %mul3A_13 = arith.constant 6272 : i32
    %mul3A_14 = arith.muli %arg1, %mul3A_13 : i32
    %add3A_15 = arith.addi %mul3A_12, %mul3A_14 : i32
    "tpu.region"() ({
      %run_scoped3A = tpu.sem_alloc : memref<!tpu.dma_semaphore, #tpu.memory_space<semaphore_mem>>
      %dma_start3A = arith.constant 0 : i32
      %dma_start3A_16 = tpu.memref_slice %arg10[%mul3A_2, %dma_start3A] : memref<100352x8xf32, #tpu.memory_space<vmem_shared>> -> memref<6272x8xf32, #tpu.memory_space<vmem_shared>>
      %dma_start3A_17 = arith.constant 0 : i32
      %dma_start3A_18 = tpu.memref_slice %arg10[%mul3A_2, %dma_start3A_17] : memref<100352x8xf32, #tpu.memory_space<vmem_shared>> -> memref<6272x8xf32, #tpu.memory_space<vmem_shared>>
      tpu.enqueue_dma source(%dma_start3A_18 : memref<6272x8xf32, #tpu.memory_space<vmem_shared>>) target(%arg9 : memref<6272x8xf32, #tpu.memory_space<vmem>>) target_semaphore(%run_scoped3A : memref<!tpu.dma_semaphore, #tpu.memory_space<semaphore_mem>>)
      %dma_wait3A = arith.constant 0 : i32
      %dma_wait3A_19 = tpu.memref_slice %arg10[%mul3A_2, %dma_wait3A] : memref<100352x8xf32, #tpu.memory_space<vmem_shared>> -> memref<6272x8xf32, #tpu.memory_space<vmem_shared>>
      %dma_wait3A_20 = arith.constant 0 : i32
      %dma_wait3A_21 = tpu.memref_slice %arg10[%mul3A_2, %dma_wait3A_20] : memref<100352x8xf32, #tpu.memory_space<vmem_shared>> -> memref<6272x8xf32, #tpu.memory_space<vmem_shared>>
      tpu.wait_dma2 semaphore(%run_scoped3A : memref<!tpu.dma_semaphore, #tpu.memory_space<semaphore_mem>>) src(%dma_wait3A_21 : memref<6272x8xf32, #tpu.memory_space<vmem_shared>>) dst(%arg9 : memref<6272x8xf32, #tpu.memory_space<vmem>>)
      tpu.yield
    }) : () -> ()
    "tpu.region"() ({
      %run_scoped3A = tpu.sem_alloc : memref<!tpu.dma_semaphore, #tpu.memory_space<semaphore_mem>>
      %dma_start3A = arith.constant 0 : i32
      %dma_start3A_16 = tpu.memref_slice %arg5[%add3A_15, %dma_start3A] : memref<200704x8xf32, #tpu.memory_space<hbm>> -> memref<6272x8xf32, #tpu.memory_space<hbm>>
      %dma_start3A_17 = arith.constant 0 : i32
      %dma_start3A_18 = tpu.memref_slice %arg5[%add3A_15, %dma_start3A_17] : memref<200704x8xf32, #tpu.memory_space<hbm>> -> memref<6272x8xf32, #tpu.memory_space<hbm>>
      tpu.enqueue_dma source(%arg9 : memref<6272x8xf32, #tpu.memory_space<vmem>>) target(%dma_start3A_18 : memref<6272x8xf32, #tpu.memory_space<hbm>>) target_semaphore(%run_scoped3A : memref<!tpu.dma_semaphore, #tpu.memory_space<semaphore_mem>>)
      %dma_wait3A = arith.constant 0 : i32
      %dma_wait3A_19 = tpu.memref_slice %arg5[%add3A_15, %dma_wait3A] : memref<200704x8xf32, #tpu.memory_space<hbm>> -> memref<6272x8xf32, #tpu.memory_space<hbm>>
      %dma_wait3A_20 = arith.constant 0 : i32
      %dma_wait3A_21 = tpu.memref_slice %arg5[%add3A_15, %dma_wait3A_20] : memref<200704x8xf32, #tpu.memory_space<hbm>> -> memref<6272x8xf32, #tpu.memory_space<hbm>>
      tpu.wait_dma2 semaphore(%run_scoped3A : memref<!tpu.dma_semaphore, #tpu.memory_space<semaphore_mem>>) src(%arg9 : memref<6272x8xf32, #tpu.memory_space<vmem>>) dst(%dma_wait3A_21 : memref<6272x8xf32, #tpu.memory_space<hbm>>)
      tpu.yield
    }) : () -> ()
    return
  }
}

module attributes {stable_mosaic.version = 14 : i64} {
  func.func @_tc_body(%arg0: i32, %arg1: i32, %arg2: memref<1024x8xf32, #tpu.memory_space<vmem>>, %arg3: memref<1024x8xf32, #tpu.memory_space<vmem>>, %arg4: memref<1024x8xf32, #tpu.memory_space<vmem>>, %arg5: memref<1x512xi32, #tpu.memory_space<vmem>>, %arg6: memref<1x512xi32, #tpu.memory_space<vmem>>, %arg7: memref<8x128xf32, #tpu.memory_space<vmem>>, %arg8: memref<1x128xf32, #tpu.memory_space<vmem>>, %arg9: memref<128x128xf32, #tpu.memory_space<vmem>>, %arg10: memref<1x128xf32, #tpu.memory_space<vmem>>, %arg11: memref<128x128xf32, #tpu.memory_space<vmem>>, %arg12: memref<1x128xf32, #tpu.memory_space<vmem>>, %arg13: memref<128x1xf32, #tpu.memory_space<vmem>>, %arg14: memref<1x1xf32, #tpu.memory_space<vmem>>, %arg15: memref<128x1xf32, #tpu.memory_space<vmem>>, %arg16: memref<1x1xf32, #tpu.memory_space<vmem>>, %arg17: memref<128x1xf32, #tpu.memory_space<vmem>>, %arg18: memref<1x1xf32, #tpu.memory_space<vmem>>, %arg19: memref<1x8xf32, #tpu.memory_space<vmem>>, %arg20: memref<1x8xf32, #tpu.memory_space<vmem>>, %arg21: memref<1x512xf32, #tpu.memory_space<vmem>>, %arg22: memref<1x512xf32, #tpu.memory_space<vmem>>, %arg23: memref<1x512xf32, #tpu.memory_space<vmem>>, %arg24: memref<1x512xf32, #tpu.memory_space<vmem>>, %arg25: memref<1x16xf32, #tpu.memory_space<vmem>>, %arg26: memref<1x512xf32, #tpu.memory_space<vmem>>, %arg27: memref<1x512xf32, #tpu.memory_space<vmem>>, %arg28: memref<128x512xf32, #tpu.memory_space<vmem>>) attributes {dimension_semantics = [#tpu.dimension_semantics<arbitrary>, #tpu.dimension_semantics<arbitrary>], iteration_bounds = array<i64: 2, 98>, scalar_prefetch = 0 : i64, scratch_operands = 4 : i64, tpu.core_type = #tpu.core_type<tc>, window_params = [{transform_indices = @transform_0, window_bounds = array<i64: 1024, 8>}, {transform_indices = @transform_1, window_bounds = array<i64: 1024, 8>}, {transform_indices = @transform_2, window_bounds = array<i64: 1024, 8>}, {pipeline_mode = #tpu.pipeline_mode<synchronous>, transform_indices = @transform_3, window_bounds = array<i64: 1, 512>}, {pipeline_mode = #tpu.pipeline_mode<synchronous>, transform_indices = @transform_4, window_bounds = array<i64: 1, 512>}, {pipeline_mode = #tpu.pipeline_mode<synchronous>, transform_indices = @transform_5, window_bounds = array<i64: 8, 128>}, {pipeline_mode = #tpu.pipeline_mode<synchronous>, transform_indices = @transform_6, window_bounds = array<i64: 1, 128>}, {pipeline_mode = #tpu.pipeline_mode<synchronous>, transform_indices = @transform_7, window_bounds = array<i64: 128, 128>}, {pipeline_mode = #tpu.pipeline_mode<synchronous>, transform_indices = @transform_8, window_bounds = array<i64: 1, 128>}, {pipeline_mode = #tpu.pipeline_mode<synchronous>, transform_indices = @transform_9, window_bounds = array<i64: 128, 128>}, {pipeline_mode = #tpu.pipeline_mode<synchronous>, transform_indices = @transform_10, window_bounds = array<i64: 1, 128>}, {pipeline_mode = #tpu.pipeline_mode<synchronous>, transform_indices = @transform_11, window_bounds = array<i64: 128, 1>}, {pipeline_mode = #tpu.pipeline_mode<synchronous>, transform_indices = @transform_12, window_bounds = array<i64: 1, 1>}, {pipeline_mode = #tpu.pipeline_mode<synchronous>, transform_indices = @transform_13, window_bounds = array<i64: 128, 1>}, {pipeline_mode = #tpu.pipeline_mode<synchronous>, transform_indices = @transform_14, window_bounds = array<i64: 1, 1>}, {pipeline_mode = #tpu.pipeline_mode<synchronous>, transform_indices = @transform_15, window_bounds = array<i64: 128, 1>}, {pipeline_mode = #tpu.pipeline_mode<synchronous>, transform_indices = @transform_16, window_bounds = array<i64: 1, 1>}, {pipeline_mode = #tpu.pipeline_mode<synchronous>, transform_indices = @transform_17, window_bounds = array<i64: 1, 8>}, {pipeline_mode = #tpu.pipeline_mode<synchronous>, transform_indices = @transform_18, window_bounds = array<i64: 1, 8>}, {pipeline_mode = #tpu.pipeline_mode<synchronous>, transform_indices = @transform_19, window_bounds = array<i64: 1, 512>}, {pipeline_mode = #tpu.pipeline_mode<synchronous>, transform_indices = @transform_20, window_bounds = array<i64: 1, 512>}, {pipeline_mode = #tpu.pipeline_mode<synchronous>, transform_indices = @transform_21, window_bounds = array<i64: 1, 512>}, {pipeline_mode = #tpu.pipeline_mode<synchronous>, transform_indices = @transform_22, window_bounds = array<i64: 1, 512>}]} {
    %eq3A = arith.constant 0 : i32
    %eq3A_0 = arith.cmpi eq, %arg0, %eq3A : i32
    %convert_element_type3A = arith.extui %eq3A_0 : i1 to i32
    %cond3A = arith.constant 0 : i32
    %cond3A_1 = arith.cmpi ne, %convert_element_type3A, %cond3A : i32
    scf.if %cond3A_1 {
      %get3A = arith.constant 0 : index
      %get3A_7 = arith.constant 0 : index
      %get3A_8 = vector.load %arg2[%get3A, %get3A_7] : memref<1024x8xf32, #tpu.memory_space<vmem>>, vector<1024x8xf32>
      %get3A_9 = arith.constant 0 : index
      %get3A_10 = arith.constant 0 : index
      %get3A_11 = vector.load %arg3[%get3A_9, %get3A_10] : memref<1024x8xf32, #tpu.memory_space<vmem>>, vector<1024x8xf32>
      %add3A = arith.addf %get3A_8, %get3A_11 : vector<1024x8xf32>
      %get3A_12 = arith.constant 0 : index
      %get3A_13 = arith.constant 0 : index
      %get3A_14 = vector.load %arg4[%get3A_12, %get3A_13] : memref<1024x8xf32, #tpu.memory_space<vmem>>, vector<1024x8xf32>
      %sub3A = arith.subf %add3A, %get3A_14 : vector<1024x8xf32>
      %eq3A_15 = arith.constant 0 : i32
      %eq3A_16 = arith.cmpi eq, %arg1, %eq3A_15 : i32
      %convert_element_type3A_17 = arith.extui %eq3A_16 : i1 to i32
      %cond3A_18 = arith.constant 0 : i32
      %cond3A_19 = arith.cmpi ne, %convert_element_type3A_17, %cond3A_18 : i32
      scf.if %cond3A_19 {
        %broadcast_in_dim3A_30 = arith.constant 0.000000e+00 : f32
        %broadcast_in_dim3A_31 = vector.broadcast %broadcast_in_dim3A_30 : f32 to vector<1x16xf32>
        %swap3A_32 = arith.constant 0 : index
        %swap3A_33 = arith.constant 0 : index
        %swap3A_34 = vector.load %arg25[%swap3A_32, %swap3A_33] : memref<1x16xf32, #tpu.memory_space<vmem>>, vector<1x16xf32>
        tpu.vector_store %arg25[%swap3A_32, %swap3A_33], %broadcast_in_dim3A_31 {strides = array<i32>} : memref<1x16xf32, #tpu.memory_space<vmem>>, vector<1x16xf32>,
      } else {
      }
      %reduce_sum3A = arith.constant dense<0.000000e+00> : vector<8xf32>
      %reduce_sum3A_20 = vector.multi_reduction <add>, %sub3A, %reduce_sum3A [0] : vector<1024x8xf32> to vector<8xf32>
      %broadcast_in_dim3A = vector.shape_cast %reduce_sum3A_20 : vector<8xf32> to vector<1x8xf32>
      %mul3A = arith.mulf %sub3A, %sub3A : vector<1024x8xf32>
      %reduce_sum3A_21 = arith.constant dense<0.000000e+00> : vector<8xf32>
      %reduce_sum3A_22 = vector.multi_reduction <add>, %mul3A, %reduce_sum3A_21 [0] : vector<1024x8xf32> to vector<8xf32>
      %broadcast_in_dim3A_23 = vector.shape_cast %reduce_sum3A_22 : vector<8xf32> to vector<1x8xf32>
      %get3A_24 = arith.constant 0 : index
      %get3A_25 = arith.constant 0 : index
      %get3A_26 = vector.load %arg25[%get3A_24, %get3A_25] : memref<1x16xf32, #tpu.memory_space<vmem>>, vector<1x16xf32>
      %concatenate3A = tpu.concatenate %broadcast_in_dim3A, %broadcast_in_dim3A_23 in 1 : vector<1x8xf32>, vector<1x8xf32> -> vector<1x16xf32>
      %add3A_27 = arith.addf %get3A_26, %concatenate3A : vector<1x16xf32>
      %swap3A = arith.constant 0 : index
      %swap3A_28 = arith.constant 0 : index
      %swap3A_29 = vector.load %arg25[%swap3A, %swap3A_28] : memref<1x16xf32, #tpu.memory_space<vmem>>, vector<1x16xf32>
      tpu.vector_store %arg25[%swap3A, %swap3A_28], %add3A_27 {strides = array<i32>} : memref<1x16xf32, #tpu.memory_space<vmem>>, vector<1x16xf32>,
    } else {
    }
    %eq3A_2 = arith.constant 1 : i32
    %eq3A_3 = arith.cmpi eq, %arg0, %eq3A_2 : i32
    %convert_element_type3A_4 = arith.extui %eq3A_3 : i1 to i32
    %cond3A_5 = arith.constant 0 : i32
    %cond3A_6 = arith.cmpi ne, %convert_element_type3A_4, %cond3A_5 : i32
    scf.if %cond3A_6 {
      %eq3A_7 = arith.constant 0 : i32
      %eq3A_8 = arith.cmpi eq, %arg1, %eq3A_7 : i32
      %convert_element_type3A_9 = arith.extui %eq3A_8 : i1 to i32
      %cond3A_10 = arith.constant 0 : i32
      %cond3A_11 = arith.cmpi ne, %convert_element_type3A_9, %cond3A_10 : i32
      scf.if %cond3A_11 {
        %broadcast_in_dim3A_171 = arith.constant 0xFF800000 : f32
        %broadcast_in_dim3A_172 = vector.broadcast %broadcast_in_dim3A_171 : f32 to vector<1x512xf32>
        %swap3A_173 = arith.constant 0 : index
        %swap3A_174 = arith.constant 0 : index
        %swap3A_175 = vector.load %arg26[%swap3A_173, %swap3A_174] : memref<1x512xf32, #tpu.memory_space<vmem>>, vector<1x512xf32>
        tpu.vector_store %arg26[%swap3A_173, %swap3A_174], %broadcast_in_dim3A_172 {strides = array<i32>} : memref<1x512xf32, #tpu.memory_space<vmem>>, vector<1x512xf32>,
        %broadcast_in_dim3A_176 = arith.constant 0.000000e+00 : f32
        %broadcast_in_dim3A_177 = vector.broadcast %broadcast_in_dim3A_176 : f32 to vector<1x512xf32>
        %swap3A_178 = arith.constant 0 : index
        %swap3A_179 = arith.constant 0 : index
        %swap3A_180 = vector.load %arg27[%swap3A_178, %swap3A_179] : memref<1x512xf32, #tpu.memory_space<vmem>>, vector<1x512xf32>
        tpu.vector_store %arg27[%swap3A_178, %swap3A_179], %broadcast_in_dim3A_177 {strides = array<i32>} : memref<1x512xf32, #tpu.memory_space<vmem>>, vector<1x512xf32>,
        %broadcast_in_dim3A_181 = arith.constant 0.000000e+00 : f32
        %broadcast_in_dim3A_182 = vector.broadcast %broadcast_in_dim3A_181 : f32 to vector<128x512xf32>
        %swap3A_183 = arith.constant 0 : index
        %swap3A_184 = arith.constant 0 : index
        %swap3A_185 = vector.load %arg28[%swap3A_183, %swap3A_184] : memref<128x512xf32, #tpu.memory_space<vmem>>, vector<128x512xf32>
        tpu.vector_store %arg28[%swap3A_183, %swap3A_184], %broadcast_in_dim3A_182 {strides = array<i32>} : memref<128x512xf32, #tpu.memory_space<vmem>>, vector<128x512xf32>,
      } else {
      }
      %get3A = arith.constant 0 : index
      %get3A_12 = arith.constant 0 : index
      %get3A_13 = vector.load %arg25[%get3A, %get3A_12] : memref<1x16xf32, #tpu.memory_space<vmem>>, vector<1x16xf32>
      %slice3A = vector.extract_strided_slice %get3A_13 {offsets = [0, 0], sizes = [1, 8], strides = [1, 1]} : vector<1x16xf32> to vector<1x8xf32>
      %div3A = arith.constant 1.000000e+05 : f32
      %div3A_14 = vector.broadcast %div3A : f32 to vector<1x8xf32>
      %div3A_15 = arith.divf %slice3A, %div3A_14 : vector<1x8xf32>
      %slice3A_16 = vector.extract_strided_slice %get3A_13 {offsets = [0, 8], sizes = [1, 8], strides = [1, 1]} : vector<1x16xf32> to vector<1x8xf32>
      %div3A_17 = arith.constant 1.000000e+05 : f32
      %div3A_18 = vector.broadcast %div3A_17 : f32 to vector<1x8xf32>
      %div3A_19 = arith.divf %slice3A_16, %div3A_18 : vector<1x8xf32>
      %mul3A = arith.mulf %div3A_15, %div3A_15 : vector<1x8xf32>
      %sub3A = arith.subf %div3A_19, %mul3A : vector<1x8xf32>
      %add3A = arith.constant 9.99999974E-6 : f32
      %add3A_20 = vector.broadcast %add3A : f32 to vector<1x8xf32>
      %add3A_21 = arith.addf %sub3A, %add3A_20 : vector<1x8xf32>
      %rsqrt3A = math.rsqrt %add3A_21 : vector<1x8xf32>
      %get3A_22 = arith.constant 0 : index
      %get3A_23 = arith.constant 0 : index
      %get3A_24 = vector.load %arg2[%get3A_22, %get3A_23] : memref<1024x8xf32, #tpu.memory_space<vmem>>, vector<1024x8xf32>
      %get3A_25 = arith.constant 0 : index
      %get3A_26 = arith.constant 0 : index
      %get3A_27 = vector.load %arg3[%get3A_25, %get3A_26] : memref<1024x8xf32, #tpu.memory_space<vmem>>, vector<1024x8xf32>
      %add3A_28 = arith.addf %get3A_24, %get3A_27 : vector<1024x8xf32>
      %get3A_29 = arith.constant 0 : index
      %get3A_30 = arith.constant 0 : index
      %get3A_31 = vector.load %arg4[%get3A_29, %get3A_30] : memref<1024x8xf32, #tpu.memory_space<vmem>>, vector<1024x8xf32>
      %sub3A_32 = arith.subf %add3A_28, %get3A_31 : vector<1024x8xf32>
      %sub3A_33 = vector.broadcast %div3A_15 : vector<1x8xf32> to vector<1024x8xf32>
      %sub3A_34 = arith.subf %sub3A_32, %sub3A_33 : vector<1024x8xf32>
      %mul3A_35 = vector.broadcast %rsqrt3A : vector<1x8xf32> to vector<1024x8xf32>
      %mul3A_36 = arith.mulf %sub3A_34, %mul3A_35 : vector<1024x8xf32>
      %get3A_37 = arith.constant 0 : index
      %get3A_38 = arith.constant 0 : index
      %get3A_39 = vector.load %arg19[%get3A_37, %get3A_38] : memref<1x8xf32, #tpu.memory_space<vmem>>, vector<1x8xf32>
      %mul3A_40 = vector.broadcast %get3A_39 : vector<1x8xf32> to vector<1024x8xf32>
      %mul3A_41 = arith.mulf %mul3A_36, %mul3A_40 : vector<1024x8xf32>
      %get3A_42 = arith.constant 0 : index
      %get3A_43 = arith.constant 0 : index
      %get3A_44 = vector.load %arg20[%get3A_42, %get3A_43] : memref<1x8xf32, #tpu.memory_space<vmem>>, vector<1x8xf32>
      %add3A_45 = vector.broadcast %get3A_44 : vector<1x8xf32> to vector<1024x8xf32>
      %add3A_46 = arith.addf %mul3A_41, %add3A_45 : vector<1024x8xf32>
      %get3A_47 = arith.constant 0 : index
      %get3A_48 = arith.constant 0 : index
      %get3A_49 = vector.load %arg7[%get3A_47, %get3A_48] : memref<8x128xf32, #tpu.memory_space<vmem>>, vector<8x128xf32>
      %dot_general3A = arith.constant dense<0.000000e+00> : vector<1024x128xf32>
      %dot_general3A_50 = tpu.matmul %add3A_46, %get3A_49, %dot_general3A {dimension_numbers = #tpu.dot_dimension_numbers<[1], [0], [0], [1], [0, 0, 1, 1], [], []>, precision = #tpu.contract_precision<fp32>, transpose_lhs_hint = false} : vector<1024x8xf32>, vector<8x128xf32>, vector<1024x128xf32> -> vector<1024x128xf32>
      %get3A_51 = arith.constant 0 : index
      %get3A_52 = arith.constant 0 : index
      %get3A_53 = vector.load %arg8[%get3A_51, %get3A_52] : memref<1x128xf32, #tpu.memory_space<vmem>>, vector<1x128xf32>
      %add3A_54 = vector.broadcast %get3A_53 : vector<1x128xf32> to vector<1024x128xf32>
      %add3A_55 = arith.addf %dot_general3A_50, %add3A_54 : vector<1024x128xf32>
      %max3A = arith.constant 0.000000e+00 : f32
      %max3A_56 = vector.broadcast %max3A : f32 to vector<1024x128xf32>
      %max3A_57 = arith.maximumf %add3A_55, %max3A_56 : vector<1024x128xf32>
      %get3A_58 = arith.constant 0 : index
      %get3A_59 = arith.constant 0 : index
      %get3A_60 = vector.load %arg9[%get3A_58, %get3A_59] : memref<128x128xf32, #tpu.memory_space<vmem>>, vector<128x128xf32>
      %dot_general3A_61 = arith.constant dense<0.000000e+00> : vector<1024x128xf32>
      %dot_general3A_62 = tpu.matmul %max3A_57, %get3A_60, %dot_general3A_61 {dimension_numbers = #tpu.dot_dimension_numbers<[1], [0], [0], [1], [0, 0, 1, 1], [], []>, precision = #tpu.contract_precision<fp32>, transpose_lhs_hint = false} : vector<1024x128xf32>, vector<128x128xf32>, vector<1024x128xf32> -> vector<1024x128xf32>
      %get3A_63 = arith.constant 0 : index
      %get3A_64 = arith.constant 0 : index
      %get3A_65 = vector.load %arg10[%get3A_63, %get3A_64] : memref<1x128xf32, #tpu.memory_space<vmem>>, vector<1x128xf32>
      %add3A_66 = vector.broadcast %get3A_65 : vector<1x128xf32> to vector<1024x128xf32>
      %add3A_67 = arith.addf %dot_general3A_62, %add3A_66 : vector<1024x128xf32>
      %max3A_68 = arith.constant 0.000000e+00 : f32
      %max3A_69 = vector.broadcast %max3A_68 : f32 to vector<1024x128xf32>
      %max3A_70 = arith.maximumf %add3A_67, %max3A_69 : vector<1024x128xf32>
      %get3A_71 = arith.constant 0 : index
      %get3A_72 = arith.constant 0 : index
      %get3A_73 = vector.load %arg11[%get3A_71, %get3A_72] : memref<128x128xf32, #tpu.memory_space<vmem>>, vector<128x128xf32>
      %dot_general3A_74 = arith.constant dense<0.000000e+00> : vector<1024x128xf32>
      %dot_general3A_75 = tpu.matmul %max3A_70, %get3A_73, %dot_general3A_74 {dimension_numbers = #tpu.dot_dimension_numbers<[1], [0], [0], [1], [0, 0, 1, 1], [], []>, precision = #tpu.contract_precision<fp32>, transpose_lhs_hint = false} : vector<1024x128xf32>, vector<128x128xf32>, vector<1024x128xf32> -> vector<1024x128xf32>
      %get3A_76 = arith.constant 0 : index
      %get3A_77 = arith.constant 0 : index
      %get3A_78 = vector.load %arg12[%get3A_76, %get3A_77] : memref<1x128xf32, #tpu.memory_space<vmem>>, vector<1x128xf32>
      %add3A_79 = vector.broadcast %get3A_78 : vector<1x128xf32> to vector<1024x128xf32>
      %add3A_80 = arith.addf %dot_general3A_75, %add3A_79 : vector<1024x128xf32>
      %max3A_81 = arith.constant 0.000000e+00 : f32
      %max3A_82 = vector.broadcast %max3A_81 : f32 to vector<1024x128xf32>
      %max3A_83 = arith.maximumf %add3A_80, %max3A_82 : vector<1024x128xf32>
      %get3A_84 = arith.constant 0 : index
      %get3A_85 = arith.constant 0 : index
      %get3A_86 = vector.load %arg13[%get3A_84, %get3A_85] : memref<128x1xf32, #tpu.memory_space<vmem>>, vector<128x1xf32>
      %dot_general3A_87 = arith.constant dense<0.000000e+00> : vector<1024x1xf32>
      %dot_general3A_88 = tpu.matmul %max3A_83, %get3A_86, %dot_general3A_87 {dimension_numbers = #tpu.dot_dimension_numbers<[1], [0], [0], [1], [0, 0, 1, 1], [], []>, precision = #tpu.contract_precision<fp32>, transpose_lhs_hint = false} : vector<1024x128xf32>, vector<128x1xf32>, vector<1024x1xf32> -> vector<1024x1xf32>
      %get3A_89 = arith.constant 0 : index
      %get3A_90 = arith.constant 0 : index
      %get3A_91 = vector.load %arg14[%get3A_89, %get3A_90] : memref<1x1xf32, #tpu.memory_space<vmem>>, vector<1x1xf32>
      %add3A_92 = vector.broadcast %get3A_91 : vector<1x1xf32> to vector<1024x1xf32>
      %add3A_93 = arith.addf %dot_general3A_88, %add3A_92 : vector<1024x1xf32>
      %mul3A_94 = arith.constant 1024 : i32
      %mul3A_95 = arith.muli %arg1, %mul3A_94 : i32
      %iota3A = tpu.iota {dimensions = array<i32: 0>} : vector<1024x1xi32>
      %add3A_96 = vector.broadcast %mul3A_95 : i32 to vector<1024x1xi32>
      %add3A_97 = arith.addi %add3A_96, %iota3A : vector<1024x1xi32>
      %get3A_98 = arith.constant 0 : index
      %get3A_99 = arith.constant 0 : index
      %get3A_100 = vector.load %arg5[%get3A_98, %get3A_99] : memref<1x512xi32, #tpu.memory_space<vmem>>, vector<1x512xi32>
      %ge3A = vector.broadcast %add3A_97 : vector<1024x1xi32> to vector<1024x512xi32>
      %ge3A_101 = vector.broadcast %get3A_100 : vector<1x512xi32> to vector<1024x512xi32>
      %ge3A_102 = arith.cmpi sge, %ge3A, %ge3A_101 : vector<1024x512xi32>
      %get3A_103 = arith.constant 0 : index
      %get3A_104 = arith.constant 0 : index
      %get3A_105 = vector.load %arg6[%get3A_103, %get3A_104] : memref<1x512xi32, #tpu.memory_space<vmem>>, vector<1x512xi32>
      %lt3A = vector.broadcast %add3A_97 : vector<1024x1xi32> to vector<1024x512xi32>
      %lt3A_106 = vector.broadcast %get3A_105 : vector<1x512xi32> to vector<1024x512xi32>
      %lt3A_107 = arith.cmpi slt, %lt3A, %lt3A_106 : vector<1024x512xi32>
      %and3A = arith.andi %ge3A_102, %lt3A_107 : vector<1024x512xi1>
      %convert_element_type3A_108 = arith.extui %and3A : vector<1024x512xi1> to vector<1024x512xi32>
      %convert_element_type3A_109 = arith.sitofp %convert_element_type3A_108 : vector<1024x512xi32> to vector<1024x512xf32>
      %jit3A = arith.constant 0xFF800000 : f32
      %broadcast_in_dim3A = vector.shape_cast %add3A_93 : vector<1024x1xf32> to vector<1024x1xf32>
      %broadcast_in_dim3A_110 = vector.broadcast %broadcast_in_dim3A : vector<1024x1xf32> to vector<1024x512xf32>
      %broadcast_in_dim3A_111 = vector.broadcast %jit3A : f32 to vector<1024x512xf32>
      %select_n3A = arith.select %and3A, %broadcast_in_dim3A_110, %broadcast_in_dim3A_111 : vector<1024x512xi1>, vector<1024x512xf32>
      %reduce_max3A = arith.constant dense<0xFF800000> : vector<512xf32>
      %reduce_max3A_112 = vector.multi_reduction <maximumf>, %select_n3A, %reduce_max3A [0] : vector<1024x512xf32> to vector<512xf32>
      %broadcast_in_dim3A_113 = vector.shape_cast %reduce_max3A_112 : vector<512xf32> to vector<1x512xf32>
      %get3A_114 = arith.constant 0 : index
      %get3A_115 = arith.constant 0 : index
      %get3A_116 = vector.load %arg26[%get3A_114, %get3A_115] : memref<1x512xf32, #tpu.memory_space<vmem>>, vector<1x512xf32>
      %max3A_117 = arith.maximumf %get3A_116, %broadcast_in_dim3A_113 : vector<1x512xf32>
      %swap3A = arith.constant 0 : index
      %swap3A_118 = arith.constant 0 : index
      %swap3A_119 = vector.load %arg26[%swap3A, %swap3A_118] : memref<1x512xf32, #tpu.memory_space<vmem>>, vector<1x512xf32>
      tpu.vector_store %arg26[%swap3A, %swap3A_118], %max3A_117 {strides = array<i32>} : memref<1x512xf32, #tpu.memory_space<vmem>>, vector<1x512xf32>,
      %eq3A_120 = arith.constant 0xFF800000 : f32
      %eq3A_121 = vector.broadcast %eq3A_120 : f32 to vector<1x512xf32>
      %eq3A_122 = arith.cmpf oeq, %max3A_117, %eq3A_121 : vector<1x512xf32>
      %sub3A_123 = arith.subf %get3A_116, %max3A_117 : vector<1x512xf32>
      %exp3A = math.exp %sub3A_123 : vector<1x512xf32>
      %jit3A_124 = arith.constant 0.000000e+00 : f32
      %broadcast_in_dim3A_125 = vector.broadcast %jit3A_124 : f32 to vector<1x512xf32>
      %select_n3A_126 = arith.select %eq3A_122, %broadcast_in_dim3A_125, %exp3A : vector<1x512xi1>, vector<1x512xf32>
      %jit3A_127 = arith.constant 0xFF800000 : f32
      %broadcast_in_dim3A_128 = vector.shape_cast %max3A_117 : vector<1x512xf32> to vector<1x512xf32>
      %broadcast_in_dim3A_129 = vector.broadcast %broadcast_in_dim3A_128 : vector<1x512xf32> to vector<1024x512xf32>
      %broadcast_in_dim3A_130 = vector.broadcast %jit3A_127 : f32 to vector<1024x512xf32>
      %select_n3A_131 = arith.select %and3A, %broadcast_in_dim3A_129, %broadcast_in_dim3A_130 : vector<1024x512xi1>, vector<1024x512xf32>
      %reduce_max3A_132 = arith.constant dense<0xFF800000> : vector<1024xf32>
      %reduce_max3A_133 = vector.multi_reduction <maximumf>, %select_n3A_131, %reduce_max3A_132 [1] : vector<1024x512xf32> to vector<1024xf32>
      %broadcast_in_dim3A_134 = vector.shape_cast %reduce_max3A_133 : vector<1024xf32> to vector<1024x1xf32>
      %eq3A_135 = arith.constant 0xFF800000 : f32
      %eq3A_136 = vector.broadcast %eq3A_135 : f32 to vector<1024x1xf32>
      %eq3A_137 = arith.cmpf oeq, %broadcast_in_dim3A_134, %eq3A_136 : vector<1024x1xf32>
      %sub3A_138 = arith.subf %add3A_93, %broadcast_in_dim3A_134 : vector<1024x1xf32>
      %exp3A_139 = math.exp %sub3A_138 : vector<1024x1xf32>
      %jit3A_140 = arith.constant 0.000000e+00 : f32
      %broadcast_in_dim3A_141 = vector.broadcast %jit3A_140 : f32 to vector<1024x1xf32>
      %select_n3A_142 = arith.select %eq3A_137, %broadcast_in_dim3A_141, %exp3A_139 : vector<1024x1xi1>, vector<1024x1xf32>
      %get3A_143 = arith.constant 0 : index
      %get3A_144 = arith.constant 0 : index
      %get3A_145 = vector.load %arg27[%get3A_143, %get3A_144] : memref<1x512xf32, #tpu.memory_space<vmem>>, vector<1x512xf32>
      %mul3A_146 = arith.mulf %get3A_145, %select_n3A_126 : vector<1x512xf32>
      %dot_general3A_147 = arith.constant dense<0.000000e+00> : vector<1x512xf32>
      %dot_general3A_148 = tpu.matmul %select_n3A_142, %convert_element_type3A_109, %dot_general3A_147 {dimension_numbers = #tpu.dot_dimension_numbers<[0], [0], [1], [1], [0, 1, 1, 1], [], []>, precision = #tpu.contract_precision<fp32>, transpose_lhs_hint = false} : vector<1024x1xf32>, vector<1024x512xf32>, vector<1x512xf32> -> vector<1x512xf32>
      %add3A_149 = arith.addf %mul3A_146, %dot_general3A_148 : vector<1x512xf32>
      %swap3A_150 = arith.constant 0 : index
      %swap3A_151 = arith.constant 0 : index
      %swap3A_152 = vector.load %arg27[%swap3A_150, %swap3A_151] : memref<1x512xf32, #tpu.memory_space<vmem>>, vector<1x512xf32>
      tpu.vector_store %arg27[%swap3A_150, %swap3A_151], %add3A_149 {strides = array<i32>} : memref<1x512xf32, #tpu.memory_space<vmem>>, vector<1x512xf32>,
      %get3A_153 = arith.constant 0 : index
      %get3A_154 = arith.constant 0 : index
      %get3A_155 = vector.load %arg28[%get3A_153, %get3A_154] : memref<128x512xf32, #tpu.memory_space<vmem>>, vector<128x512xf32>
      %mul3A_156 = vector.broadcast %select_n3A_126 : vector<1x512xf32> to vector<128x512xf32>
      %mul3A_157 = arith.mulf %get3A_155, %mul3A_156 : vector<128x512xf32>
      %mul3A_158 = vector.broadcast %select_n3A_142 : vector<1024x1xf32> to vector<1024x128xf32>
      %mul3A_159 = arith.mulf %mul3A_158, %max3A_83 : vector<1024x128xf32>
      %dot_general3A_160 = arith.constant dense<0.000000e+00> : vector<128x512xf32>
      %dot_general3A_161 = tpu.matmul %mul3A_159, %convert_element_type3A_109, %dot_general3A_160 {dimension_numbers = #tpu.dot_dimension_numbers<[0], [0], [1], [1], [0, 1, 1, 1], [], []>, precision = #tpu.contract_precision<fp32>, transpose_lhs_hint = false} : vector<1024x128xf32>, vector<1024x512xf32>, vector<128x512xf32> -> vector<128x512xf32>
      %add3A_162 = arith.addf %mul3A_157, %dot_general3A_161 : vector<128x512xf32>
      %swap3A_163 = arith.constant 0 : index
      %swap3A_164 = arith.constant 0 : index
      %swap3A_165 = vector.load %arg28[%swap3A_163, %swap3A_164] : memref<128x512xf32, #tpu.memory_space<vmem>>, vector<128x512xf32>
      tpu.vector_store %arg28[%swap3A_163, %swap3A_164], %add3A_162 {strides = array<i32>} : memref<128x512xf32, #tpu.memory_space<vmem>>, vector<128x512xf32>,
      %eq3A_166 = arith.constant 97 : i32
      %eq3A_167 = arith.cmpi eq, %arg1, %eq3A_166 : i32
      %convert_element_type3A_168 = arith.extui %eq3A_167 : i1 to i32
      %cond3A_169 = arith.constant 0 : i32
      %cond3A_170 = arith.cmpi ne, %convert_element_type3A_168, %cond3A_169 : i32
      scf.if %cond3A_170 {
        %get3A_171 = arith.constant 0 : index
        %get3A_172 = arith.constant 0 : index
        %get3A_173 = vector.load %arg28[%get3A_171, %get3A_172] : memref<128x512xf32, #tpu.memory_space<vmem>>, vector<128x512xf32>
        %get3A_174 = arith.constant 0 : index
        %get3A_175 = arith.constant 0 : index
        %get3A_176 = vector.load %arg27[%get3A_174, %get3A_175] : memref<1x512xf32, #tpu.memory_space<vmem>>, vector<1x512xf32>
        %add3A_177 = arith.constant 1.000000e-16 : f32
        %add3A_178 = vector.broadcast %add3A_177 : f32 to vector<1x512xf32>
        %add3A_179 = arith.addf %get3A_176, %add3A_178 : vector<1x512xf32>
        %div3A_180 = vector.broadcast %add3A_179 : vector<1x512xf32> to vector<128x512xf32>
        %div3A_181 = arith.divf %get3A_173, %div3A_180 : vector<128x512xf32>
        %get3A_182 = arith.constant 0 : index
        %get3A_183 = arith.constant 0 : index
        %get3A_184 = vector.load %arg15[%get3A_182, %get3A_183] : memref<128x1xf32, #tpu.memory_space<vmem>>, vector<128x1xf32>
        %dot_general3A_185 = arith.constant dense<0.000000e+00> : vector<1x512xf32>
        %dot_general3A_186 = tpu.matmul %get3A_184, %div3A_181, %dot_general3A_185 {dimension_numbers = #tpu.dot_dimension_numbers<[0], [0], [1], [1], [0, 1, 1, 1], [], []>, precision = #tpu.contract_precision<fp32>, transpose_lhs_hint = false} : vector<128x1xf32>, vector<128x512xf32>, vector<1x512xf32> -> vector<1x512xf32>
        %get3A_187 = arith.constant 0 : index
        %get3A_188 = arith.constant 0 : index
        %get3A_189 = vector.load %arg16[%get3A_187, %get3A_188] : memref<1x1xf32, #tpu.memory_space<vmem>>, vector<1x1xf32>
        %add3A_190 = vector.broadcast %get3A_189 : vector<1x1xf32> to vector<1x512xf32>
        %add3A_191 = arith.addf %dot_general3A_186, %add3A_190 : vector<1x512xf32>
        %get3A_192 = arith.constant 0 : index
        %get3A_193 = arith.constant 0 : index
        %get3A_194 = vector.load %arg17[%get3A_192, %get3A_193] : memref<128x1xf32, #tpu.memory_space<vmem>>, vector<128x1xf32>
        %dot_general3A_195 = arith.constant dense<0.000000e+00> : vector<1x512xf32>
        %dot_general3A_196 = tpu.matmul %get3A_194, %div3A_181, %dot_general3A_195 {dimension_numbers = #tpu.dot_dimension_numbers<[0], [0], [1], [1], [0, 1, 1, 1], [], []>, precision = #tpu.contract_precision<fp32>, transpose_lhs_hint = false} : vector<128x1xf32>, vector<128x512xf32>, vector<1x512xf32> -> vector<1x512xf32>
        %get3A_197 = arith.constant 0 : index
        %get3A_198 = arith.constant 0 : index
        %get3A_199 = vector.load %arg18[%get3A_197, %get3A_198] : memref<1x1xf32, #tpu.memory_space<vmem>>, vector<1x1xf32>
        %add3A_200 = vector.broadcast %get3A_199 : vector<1x1xf32> to vector<1x512xf32>
        %add3A_201 = arith.addf %dot_general3A_196, %add3A_200 : vector<1x512xf32>
        %swap3A_202 = arith.constant 0 : index
        %swap3A_203 = arith.constant 0 : index
        %swap3A_204 = vector.load %arg23[%swap3A_202, %swap3A_203] : memref<1x512xf32, #tpu.memory_space<vmem>>, vector<1x512xf32>
        tpu.vector_store %arg23[%swap3A_202, %swap3A_203], %add3A_191 {strides = array<i32>} : memref<1x512xf32, #tpu.memory_space<vmem>>, vector<1x512xf32>,
        %swap3A_205 = arith.constant 0 : index
        %swap3A_206 = arith.constant 0 : index
        %swap3A_207 = vector.load %arg24[%swap3A_205, %swap3A_206] : memref<1x512xf32, #tpu.memory_space<vmem>>, vector<1x512xf32>
        tpu.vector_store %arg24[%swap3A_205, %swap3A_206], %add3A_201 {strides = array<i32>} : memref<1x512xf32, #tpu.memory_space<vmem>>, vector<1x512xf32>,
        %get3A_208 = arith.constant 0 : index
        %get3A_209 = arith.constant 0 : index
        %get3A_210 = vector.load %arg21[%get3A_208, %get3A_209] : memref<1x512xf32, #tpu.memory_space<vmem>>, vector<1x512xf32>
        %mul3A_211 = arith.mulf %add3A_191, %get3A_210 : vector<1x512xf32>
        %add3A_212 = arith.addf %mul3A_211, %add3A_201 : vector<1x512xf32>
        %swap3A_213 = arith.constant 0 : index
        %swap3A_214 = arith.constant 0 : index
        %swap3A_215 = vector.load %arg22[%swap3A_213, %swap3A_214] : memref<1x512xf32, #tpu.memory_space<vmem>>, vector<1x512xf32>
        tpu.vector_store %arg22[%swap3A_213, %swap3A_214], %add3A_212 {strides = array<i32>} : memref<1x512xf32, #tpu.memory_space<vmem>>, vector<1x512xf32>,
      } else {
      }
    } else {
    }
    return
  }
  func.func @transform_0(%arg0: i32, %arg1: i32) -> (i32, i32) {
    %c0_i32 = arith.constant 0 : i32
    %c0_i32_0 = arith.constant 0 : i32
    return %arg1, %c0_i32 : i32, i32
  }
  func.func @transform_1(%arg0: i32, %arg1: i32) -> (i32, i32) {
    %add3A = arith.constant 98 : i32
    %add3A_0 = arith.addi %arg1, %add3A : i32
    %c0_i32 = arith.constant 0 : i32
    %c0_i32_1 = arith.constant 0 : i32
    return %add3A_0, %c0_i32 : i32, i32
  }
  func.func @transform_2(%arg0: i32, %arg1: i32) -> (i32, i32) {
    %c0_i32 = arith.constant 0 : i32
    %c0_i32_0 = arith.constant 0 : i32
    return %arg1, %c0_i32 : i32, i32
  }
  func.func @transform_3(%arg0: i32, %arg1: i32) -> (i32, i32) {
    %c0_i32 = arith.constant 0 : i32
    %c0_i32_0 = arith.constant 0 : i32
    %c0_i32_1 = arith.constant 0 : i32
    return %c0_i32, %c0_i32_0 : i32, i32
  }
  func.func @transform_4(%arg0: i32, %arg1: i32) -> (i32, i32) {
    %c0_i32 = arith.constant 0 : i32
    %c0_i32_0 = arith.constant 0 : i32
    %c0_i32_1 = arith.constant 0 : i32
    return %c0_i32, %c0_i32_0 : i32, i32
  }
  func.func @transform_5(%arg0: i32, %arg1: i32) -> (i32, i32) {
    %c0_i32 = arith.constant 0 : i32
    %c0_i32_0 = arith.constant 0 : i32
    %c0_i32_1 = arith.constant 0 : i32
    return %c0_i32, %c0_i32_0 : i32, i32
  }
  func.func @transform_6(%arg0: i32, %arg1: i32) -> (i32, i32) {
    %c0_i32 = arith.constant 0 : i32
    %c0_i32_0 = arith.constant 0 : i32
    %c0_i32_1 = arith.constant 0 : i32
    return %c0_i32, %c0_i32_0 : i32, i32
  }
  func.func @transform_7(%arg0: i32, %arg1: i32) -> (i32, i32) {
    %c0_i32 = arith.constant 0 : i32
    %c0_i32_0 = arith.constant 0 : i32
    %c0_i32_1 = arith.constant 0 : i32
    return %c0_i32, %c0_i32_0 : i32, i32
  }
  func.func @transform_8(%arg0: i32, %arg1: i32) -> (i32, i32) {
    %c0_i32 = arith.constant 0 : i32
    %c0_i32_0 = arith.constant 0 : i32
    %c0_i32_1 = arith.constant 0 : i32
    return %c0_i32, %c0_i32_0 : i32, i32
  }
  func.func @transform_9(%arg0: i32, %arg1: i32) -> (i32, i32) {
    %c0_i32 = arith.constant 0 : i32
    %c0_i32_0 = arith.constant 0 : i32
    %c0_i32_1 = arith.constant 0 : i32
    return %c0_i32, %c0_i32_0 : i32, i32
  }
  func.func @transform_10(%arg0: i32, %arg1: i32) -> (i32, i32) {
    %c0_i32 = arith.constant 0 : i32
    %c0_i32_0 = arith.constant 0 : i32
    %c0_i32_1 = arith.constant 0 : i32
    return %c0_i32, %c0_i32_0 : i32, i32
  }
  func.func @transform_11(%arg0: i32, %arg1: i32) -> (i32, i32) {
    %c0_i32 = arith.constant 0 : i32
    %c0_i32_0 = arith.constant 0 : i32
    %c0_i32_1 = arith.constant 0 : i32
    return %c0_i32, %c0_i32_0 : i32, i32
  }
  func.func @transform_12(%arg0: i32, %arg1: i32) -> (i32, i32) {
    %c0_i32 = arith.constant 0 : i32
    %c0_i32_0 = arith.constant 0 : i32
    %c0_i32_1 = arith.constant 0 : i32
    return %c0_i32, %c0_i32_0 : i32, i32
  }
  func.func @transform_13(%arg0: i32, %arg1: i32) -> (i32, i32) {
    %c0_i32 = arith.constant 0 : i32
    %c0_i32_0 = arith.constant 0 : i32
    %c0_i32_1 = arith.constant 0 : i32
    return %c0_i32, %c0_i32_0 : i32, i32
  }
  func.func @transform_14(%arg0: i32, %arg1: i32) -> (i32, i32) {
    %c0_i32 = arith.constant 0 : i32
    %c0_i32_0 = arith.constant 0 : i32
    %c0_i32_1 = arith.constant 0 : i32
    return %c0_i32, %c0_i32_0 : i32, i32
  }
  func.func @transform_15(%arg0: i32, %arg1: i32) -> (i32, i32) {
    %c0_i32 = arith.constant 0 : i32
    %c0_i32_0 = arith.constant 0 : i32
    %c0_i32_1 = arith.constant 0 : i32
    return %c0_i32, %c0_i32_0 : i32, i32
  }
  func.func @transform_16(%arg0: i32, %arg1: i32) -> (i32, i32) {
    %c0_i32 = arith.constant 0 : i32
    %c0_i32_0 = arith.constant 0 : i32
    %c0_i32_1 = arith.constant 0 : i32
    return %c0_i32, %c0_i32_0 : i32, i32
  }
  func.func @transform_17(%arg0: i32, %arg1: i32) -> (i32, i32) {
    %c0_i32 = arith.constant 0 : i32
    %c0_i32_0 = arith.constant 0 : i32
    %c0_i32_1 = arith.constant 0 : i32
    return %c0_i32, %c0_i32_0 : i32, i32
  }
  func.func @transform_18(%arg0: i32, %arg1: i32) -> (i32, i32) {
    %c0_i32 = arith.constant 0 : i32
    %c0_i32_0 = arith.constant 0 : i32
    %c0_i32_1 = arith.constant 0 : i32
    return %c0_i32, %c0_i32_0 : i32, i32
  }
  func.func @transform_19(%arg0: i32, %arg1: i32) -> (i32, i32) {
    %c0_i32 = arith.constant 0 : i32
    %c0_i32_0 = arith.constant 0 : i32
    %c0_i32_1 = arith.constant 0 : i32
    return %c0_i32, %c0_i32_0 : i32, i32
  }
  func.func @transform_20(%arg0: i32, %arg1: i32) -> (i32, i32) {
    %c0_i32 = arith.constant 0 : i32
    %c0_i32_0 = arith.constant 0 : i32
    %c0_i32_1 = arith.constant 0 : i32
    return %c0_i32, %c0_i32_0 : i32, i32
  }
  func.func @transform_21(%arg0: i32, %arg1: i32) -> (i32, i32) {
    %c0_i32 = arith.constant 0 : i32
    %c0_i32_0 = arith.constant 0 : i32
    %c0_i32_1 = arith.constant 0 : i32
    return %c0_i32, %c0_i32_0 : i32, i32
  }
  func.func @transform_22(%arg0: i32, %arg1: i32) -> (i32, i32) {
    %c0_i32 = arith.constant 0 : i32
    %c0_i32_0 = arith.constant 0 : i32
    %c0_i32_1 = arith.constant 0 : i32
    return %c0_i32, %c0_i32_0 : i32, i32
  }
}

</mosaic_0001>

<sc_bundles>
// kernel: kernel.4.cloned.1.call-start
scs
__scs_entry_jumppad:
0x0: {  	(pc) =	sbr.rel $0x88, $3  }
0x1: {  	(tag) =	ssettag $0x0;
	lr =	simm.s32 $0x1  }
0x2: {  	[smem:$0x3F8F] =	sst lr;
	_ =	strace $0xD0000000  }
0x3: {  	_ = 	snop  }
0x4: {  	_ = 	snop  }
0x5: {  	_ = 	snop  }
0x6: {  	_ = 	snop  }
0x7: {  	_ = 	snop  }
__scs_overlays_trampoline_lowered:
0x8: {  	[smem:$0x3F9E] =	sst s0  }
0x9: {  	[smem:$0x3F9F] =	sst s1  }
0xa: {  	[smem:$0x3FA0] =	sst s2  }
0xb: {  	[smem:$0x3FA1] =	sst s3  }
0xc: {  	[smem:$0x3FA2] =	sst s4  }
0xd: {  	[smem:$0x3FA3] =	sst s5  }
0xe: {  	[smem:$0x3FA4] =	sst s6  }
0xf: {  	[smem:$0x3FA5] =	sst s7  }
0x10: {  	[smem:$0x3FA6] =	sst s8  }
0x11: {  	[smem:$0x3FA7] =	sst s9;
	s0 =	simm.s32 @!p0 $0x0  }
0x12: {  	s1 =	sld [smem:$0x3F8D];
	s0 =	simm.s32 @p0 $0x1  }
0x13: {  	[smem:$0x3FA8] =	sst s0;
	s0 =	simm.s32 @!p1 $0x0  }
0x14: {  	s2 =	sld [smem:$0x3F8C];
	s0 =	simm.s32 @p1 $0x1  }
0x15: {  	[smem:$0x3FA9] =	sst s0;
	s0 =	simm.s32 @!p2 $0x0  }
0x16: {  	s3 =	sld [smem:$0x3FDB];
	s0 =	simm.s32 @p2 $0x1  }
0x17: {  	s4 =	simm.s32 $0x1BF5;
	[smem:$0x3FAB] =	sst s0  }
0x18: {  	s0 =	sld [smem:$0x3F8E];
	_ =	swait.ge [sflag:s4], $0x0  }
0x19: {  	s7 =	sld [smem:$0x3F8F]  }
0x1a: {  	s8 =	sadd.s32 $0xFFFFE003, lr  }
0x1b: {  	s9 =	sadd.s32 $0xFFFFFEF7, lr;
	s5 =	simm.s32 $0xFFFFFFFF;
	p2 =	slt.u32 s8, $0xFFFFF086  }
0x1c: {  	p1 =	slt.u32 s9, $0xF7A;
	s5 =	simm.s32 @!p2 $0x0  }
0x1d: {  	s5 =	simm.s32 @p1 $0x1;
	p0 =	seq.s32 s7, s2  }
0x1e: {  	s7 =	smul.u32 @!p0 $0xF7A, s2;
	p2 =	seq.s32 @!p0 s5, $0x0  }
0x1f: {  	s9 =	smul.u32 $0xF7A, s1;
	s8 =	simm.s32 @!p0 $0x1BF5;
	p2 =	por !p2, p0  }
0x20: {  	[sflag:s8] =	ssyncset.s32 @!p0 $0xFFFFF086;
	s6 =	sadd.s32 @!p0 s3, s7;
	s7 =	simm.s32 @!p0 $0x108  }
0x21: {  	s3 =	sadd.s32 s3, s9;
	s6 =	sadd.s32 @!p0 $0x88, s6;
	s7 =	simm.s32 @p2 $0x1082  }
0x22: {  	[simem:s7], [sflag:s8] =	dma.local @!p0 [hbm:s6], $0xF7A  }
0x23: {  	s9 =	sor.u32 $0xD0000000, s2;
	s6 =	simm.s32 $0x108;
	_ =	swait.ge @!p0 [sflag:s8], $0x0  }
0x24: {  	s3 =	sadd.s32 $0x88, s3;
	s6 =	simm.s32 @!p1 $0x1082;
	[sflag:s4] =	ssyncset.s32 $0xFFFFF086  }
0x25: {  	[simem:s6], [sflag:s4] =	dma.local [hbm:s3], $0xF7A  }
0x26: {  	[smem:$0x3F8F] =	sst s1;
	(tag) =	ssettag s2;
	_ =	strace s9  }
0x27: {  	s1 =	sld [smem:$0x3F9F]  }
0x28: {  	s2 =	sld [smem:$0x3FA0]  }
0x29: {  	s4 =	sld [smem:$0x3FA2]  }
0x2a: {  	p0 =	seq.s32 s5, $0x0;
	s5 =	sld [smem:$0x3FA3]  }
0x2b: {  	s6 =	sld [smem:$0x3FA4]  }
0x2c: {  	s7 =	sld [smem:$0x3FA5]  }
0x2d: {  	s3 =	simm.s32 $0x108;
	s8 =	sld [smem:$0x3FA6]  }
0x2e: {  	s3 =	simm.s32 @!p0 $0x1082;
	s9 =	sld [smem:$0x3FA7]  }
0x2f: {  	lr =	sadd.s32 s0, s3;
	s0 =	sld [smem:$0x3F9E]  }
0x30: {  	s3 =	sld [smem:$0x3FA1]  }
0x31: {  	[smem:$0x3FAA] =	sst s10  }
0x32: {  	s10 =	sld [smem:$0x3FA8];
	_ =	sdelay $0x3  }
0x33: {  	p0 =	seq.s32 s10, $0x1;
	s10 =	sld [smem:$0x3FAA];
	_ =	sdelay $0x3  }
0x34: {  	[smem:$0x3FAA] =	sst s10  }
0x35: {  	s10 =	sld [smem:$0x3FA9];
	_ =	sdelay $0x3  }
0x36: {  	p1 =	seq.s32 s10, $0x1;
	s10 =	sld [smem:$0x3FAA];
	_ =	sdelay $0x3  }
0x37: {  	[smem:$0x3FAA] =	sst s10  }
0x38: {  	s10 =	sld [smem:$0x3FAB]  }
0x39: {  	_ = 	snop;
	(pc) =	sbr.ind lr, $3  }
0x3a: {  	_ = 	snop  }
0x3b: {  	_ = 	snop  }
0x3c: {  	p2 =	seq.s32 s10, $0x1;
	s10 =	sld [smem:$0x3FAA]  }
0x3d: {  	_ =	shalt  }
0x3e: {  	_ =	shalt  }
0x3f: {  	_ =	shalt  }
0x40: {  	_ =	shalt  }
0x41: {  	_ =	shalt  }
0x42: {  	_ =	shalt  }
0x43: {  	_ =	shalt  }
0x44: {  	_ =	shalt  }
0x45: {  	_ =	shalt  }
0x46: {  	_ =	shalt  }
0x47: {  	_ =	shalt  }
0x48: {  	_ =	shalt  }
0x49: {  	_ =	shalt  }
0x4a: {  	_ =	shalt  }
0x4b: {  	_ =	shalt  }
0x4c: {  	_ =	shalt  }
0x4d: {  	_ =	shalt  }
0x4e: {  	_ =	shalt  }
0x4f: {  	_ =	shalt  }
0x50: {  	_ =	shalt  }
0x51: {  	_ =	shalt  }
0x52: {  	_ =	shalt  }
0x53: {  	_ =	shalt  }
0x54: {  	_ =	shalt  }
0x55: {  	_ =	shalt  }
0x56: {  	_ =	shalt  }
0x57: {  	_ =	shalt  }
0x58: {  	_ =	shalt  }
0x59: {  	_ =	shalt  }
0x5a: {  	_ =	shalt  }
0x5b: {  	_ =	shalt  }
0x5c: {  	_ =	shalt  }
0x5d: {  	_ =	shalt  }
0x5e: {  	_ =	shalt  }
0x5f: {  	_ =	shalt  }
0x60: {  	_ =	shalt  }
0x61: {  	_ =	shalt  }
0x62: {  	_ =	shalt  }
0x63: {  	_ =	shalt  }
0x64: {  	_ =	shalt  }
0x65: {  	_ =	shalt  }
0x66: {  	_ =	shalt  }
0x67: {  	_ =	shalt  }
0x68: {  	_ =	shalt  }
0x69: {  	_ =	shalt  }
0x6a: {  	_ =	shalt  }
0x6b: {  	_ =	shalt  }
0x6c: {  	_ =	shalt  }
0x6d: {  	_ =	shalt  }
0x6e: {  	_ =	shalt  }
0x6f: {  	_ =	shalt  }
0x70: {  	_ =	shalt  }
0x71: {  	_ =	shalt  }
0x72: {  	_ =	shalt  }
0x73: {  	_ =	shalt  }
0x74: {  	_ =	shalt  }
0x75: {  	_ =	shalt  }
0x76: {  	_ =	shalt  }
0x77: {  	_ =	shalt  }
0x78: {  	_ =	shalt  }
0x79: {  	_ =	shalt  }
0x7a: {  	_ =	shalt  }
0x7b: {  	_ =	shalt  }
0x7c: {  	_ =	shalt  }
0x7d: {  	_ =	shalt  }
0x7e: {  	_ =	shalt  }
0x7f: {  	_ =	shalt  }
0x80: {  	_ =	shalt  }
0x81: {  	_ =	shalt  }
0x82: {  	_ =	shalt  }
0x83: {  	_ =	shalt  }
0x84: {  	_ =	shalt  }
0x85: {  	_ =	shalt  }
0x86: {  	_ =	shalt  }
0x87: {  	_ =	shalt  }
.Lfunc_end0:
.L_simem_size_0:
called_computation_lowered:
.L_overlay_start_0:
0x88: {  	s2 =	sld [smem:$0x3FD9]  }
0x89: {  	s3 =	sld [smem:$0x3FFE];
	_ =	sdelay $0x1  }
0x8a: {  	s1 =	srdreg.scid  }
0x8b: {  	s0 =	sand.u32 $0x1, s1  }
0x8c: {  	s16 =	sshll.u32 s0, $0xA;
	s2 =	sadd.s32 s3, s2  }
0x8d: {  	s2 =	sadd.s32 s2, s16  }
0x8e: {  	[smem:$0x3FB6] =	sst s2  }
0x8f: {  	_ = 	snop  }
0x90: {  	(tm) =	ssettm $0x1  }
0x91: {  	s17 =	sld [smem:$0x3FFB];
	_ =	sdelay $0x3  }
0x92: {  	_ =	strace s17  }
0x93: {  	s2 =	sld [smem:$0x3FFC];
	_ =	sdelay $0x3  }
0x94: {  	_ =	strace s2  }
0x95: {  	s2 =	sld [smem:$0x3FFD];
	_ =	sdelay $0x3  }
0x96: {  	_ =	strace s2  }
0x97: {  	_ =	strace $0x8FFFFFFF  }
0x98: {  	s18 =	sld [smem:$0x3FDB];
	_ =	sdelay $0x1  }
0x99: {  	s19 =	simm.s32 $_scs_section_size  }
0x9a: {  	s4 =	simm.s32 $_size__tile_overlayer_lowered;
	s5 =	simm.s32 $_tile_overlayer_lowered  }
0x9b: {  	s22 =	simm.s32 $0x1BFF;
	s21 =	sshll.u32 s5, $0x1;
	s2 =	sadd.s32 s19, s18  }
0x9c: {  	s6 =	simm.s32 $0x0;
	s20 =	sshll.u32 s4, $0x1;
	s4 =	sadd.s32 s21, s2  }
0x9d: {  	[timem:s6], [sflag:s22] =	dma.local [hbm:s4], s20  }
0x9e: {  	_ =	swait.ge [sflag:s22], s20  }
0x9f: {  	s3 =	ssub.s32 $0x0, s20;
	[sflag:s22] =	ssyncset.done $0x0  }
0xa0: {  	[sflag:s22] =	ssyncadd.s32 s3;
	_ =	sdelay $0x1  }
0xa1: {  	s23 =	simm.s32 $0x1B8B  }
0xa2: {  	_ =	swait.ge [sflag:s23], $0x1  }
0xa3: {  	[sflag:s23] =	ssyncset.done $0x0  }
0xa4: {  	s25 =	simm.s32 $0x1B8E;
	s24 =	sld [smem:$0x3FFE];
	[sflag:s23] =	ssyncadd.s32 $0xFFFFFFFF  }
0xa5: {  	s26 =	simm.s32 $execute0_lowered;
	[smem:$0x3FD2] =	sst s25  }
0xa6: {  	s4 =	sshll.u32 s26, $0x1;
	_ =	strace $0x80000046;
	[dreg:$0x1] =	wrdreg $0xFFFFFFFF  }
0xa7: {  	s28 =	simm.s32 $_size_execute0_lowered;
	s2 =	sadd.s32 s2, s4;
	[dreg:$0x0] =	wrdreg $0x0  }
0xa8: {  	s4 =	sshll.u32 s28, $0x1;
	[dreg:$0x2] =	wrdreg s2  }
0xa9: {  	[dreg:$0x3] =	wrdreg s4  }
0xaa: {  	[dreg:$0x4] =	wrdreg $0xC0  }
0xab: {  	_ =	task [dreg:s6], $0x5FFFF  }
0xac: {  	[dreg:$0x1] =	wrdreg $0xFFFFFFFF  }
0xad: {  	[dreg:$0x0] =	wrdreg $0x60  }
0xae: {  	[dreg:$0x2] =	wrdreg s24  }
0xaf: {  	[dreg:$0x3] =	wrdreg $0x134000  }
0xb0: {  	[dreg:$0x4] =	wrdreg $0x9  }
0xb1: {  	_ =	task.clear_ibuf [dreg:s6], $0x5FFFF;
	_ =	strace $0x90000046  }
0xb2: {  	s29 =	simm.s32 $0x9;
	_ =	strace $0x80000048  }
0xb3: {  	_ =	swait.ge [sflag:s29], $0x1  }
0xb4: {  	[sflag:s29] =	ssyncadd.s32 $0xFFFFFFFF  }
0xb5: {  	_ =	strace $0x90000048  }
0xb6: {  	_ =	sfence  }
0xb7: {  	s30 =	sld [smem:$0x0];
	_ =	sdelay $0x2  }
0xb8: {  	s31 =	sshll.u32 s1, $0xD;
	s1 =	sshrl.u32 s1, $0x2  }
0xb9: {  	s3 =	sand.u32 $0x4000, s31;
	s1 =	sadd.s32 s1, s30  }
0xba: {  	s0 =	sor.u32 s3, s0;
	s1 =	sshll.u32 s1, $0x11  }
0xbb: {  	s0 =	sor.u32 s1, s0  }
0xbc: {  	s0 =	sadd.s32 $0x8F2B, s0  }
0xbd: {  	[sflag:s0] =	ssyncadd.remote.s32 $0x1  }
0xbe: {  	_ =	sfence.sel $0xFFFF  }
0xbf: {  	[dreg:$0x0] =	wrdreg $0xFFFFFFFF;
	(pc) =	sbr.abs _section_cstart, $3  }
0xc0: {  	[dreg:$0x1] =	wrdreg $0xFFFFFFFF  }
0xc1: {  	_ =	task.clear_ibuf [dreg:s6], $0x2FFFF;
	_ =	strace $0x9FFFFFFF  }
0xc2: {  	(tm) =	ssettm $0x7FFFFFFF  }
0xc3: {  	_ =	shalt  }
tec
execute0_lowered:
.L_overlay_start_1:
0x0: {  	(tag) =	ssettag $0x1  }
0x1: {  	s7 =	rddreg [dreg:$0x0]  }
0x2: {  	s1 =	rddreg [dreg:$0x1]  }
0x3: {  	s0 =	rddreg [dreg:$0x2]  }
0x4: {  	s3 =	simm.s32 $0x0;
	s2 =	stileid.u32;
	s6 =	srdreg.scid  }
0x5: {  	s14 =	simm.s32 $0x2800;
	s15 =	simm.s32 $0x80;
	s16 =	simm.s32 $0x5000  }
0x6: {  	s17 =	simm.s32 $0x5400;
	s18 =	simm.s32 $0x5800;
	s19 =	simm.s32 $0x5C00  }
0x7: {  	s20 =	simm.s32 $0x6000;
	s21 =	simm.s32 $0x6400;
	s22 =	simm.s32 $0x6800  }
0x8: {  	s23 =	simm.s32 $0x6C00;
	s24 =	simm.s32 $0x1;
	s25 =	simm.s32 $0x0  }
0x9: {  	[smem:$0x7FF] =	sst s3;
	s4 =	sadd.s32 $0x2A00, s7;
	s5 =	sadd.s32 $0x7F200, s7  }
0xa: {  	s8 =	smul.u32 $0x1880, s2;
	s9 =	sand.u32 $0x1, s6;
	s6 =	sadd.s32 $0x1B200, s7  }
0xb: {  	s11 =	smul.u32 $0xC400, s2;
	_ =	strace $0x80000047;
	s10 =	ssub.s32 $0x2, s9  }
0xc: {  	s12 =	smul.u32 $0x18800, s9;
	s29 =	sshll.u32 s9, $0x4;
	s8 =	sadd.s32 s8, s7  }
0xd: {  	s28 =	sshrl.u32 s10, $0x1;
	s30 =	sshrl.u32 s11, $0x3;
	s31 =	sor.u32 s2, s29  }
0xe: {  	s13 =	ssub.s32 s10, s28;
	s7 =	sadd.s32 s4, s30;
	s12 =	sadd.s32 s12, s8  }
0xf: {  	s8 =	sadd.s32 s11, s1;
	s9 =	smul.u32 $0x320, s31;
	s10 =	sadd.s32 $0xE3200, s12  }
0x10: {  	s11 =	smax.u32 s13, $0x1;
	s12 =	simm.s32 $0x7000;
	s13 =	simm.s32 $0x2  }
.LBB2_1:
0x11: {  	[tilespmem:s12], [sflag:$0x2] =	stream.linear.gather [hbm4b:s7+s3], $0xC400, $0x38;
	[tilespmem:$0x1F800] =	vst v63  }
0x12: {  	_ =	swait.ge [sflag:s13], $0xC400  }
0x13: {  	[sflag:s13] =	ssyncset.done $0x0  }
0x14: {  	[sflag:s13] =	ssyncadd.s32 $0xFFFF3C00  }
0x15: {  	[spmem:s8] =	stream.linear.scatter [tilespmem:s12], [sflag:$0x2], $0xC400, $0x38;
	[tilespmem:$0x1F800] =	vst v63  }
0x16: {  	_ =	swait.ge [sflag:s13], $0xC400  }
0x17: {  	[sflag:s13] =	ssyncset.done $0x0  }
0x18: {  	[sflag:s13] =	ssyncadd.s32 $0xFFFF3C00  }
0x19: {  	s26 =	simm.s32 $0x0;
	[bflag:$0x0] =	sbarrier.arrive $0xFFFF  }
.LBB2_2:
0x1a: {  	s28 =	smul.u32 $0x50, s26;
	_ =	sdelay $0x1  }
0x1b: {  	s28 =	sadd.s32 s9, s28  }
0x1c: {  	s28 =	sshll.u32 s28, $0x4  }
0x1d: {  	s30 =	simm.s32 $0x0;
	s29 =	sadd.s32 s5, s28  }
0x1e: {  	[tilespmem:s30], [sflag:$0x2] =	stream.linear.gather [hbm4b:s29+s30], $0x2800, $0x38;
	[tilespmem:$0x1F800] =	vst v63  }
0x1f: {  	_ =	swait.ge [sflag:s13], $0x2800  }
0x20: {  	[sflag:s13] =	ssyncset.done $0x0  }
0x21: {  	s28 =	sadd.s32 s6, s28;
	[sflag:s13] =	ssyncadd.s32 $0xFFFFD800  }
0x22: {  	[tilespmem:s14], [sflag:$0x2] =	stream.linear.gather [hbm4b:s28+s30], $0x2800, $0x38;
	[tilespmem:$0x1F800] =	vst v63  }
0x23: {  	_ =	swait.ge [sflag:s13], $0x2800  }
0x24: {  	[sflag:s13] =	ssyncset.done $0x0  }
0x25: {  	s28 =	simm.s32 $0x0;
	[sflag:s13] =	ssyncadd.s32 $0xFFFFD800  }
0x26: {  	[tilespmem:s16], [sflag:$0x1] =	stream.indirect.gather [hbm4b:s4+s15], $0x8, s28, s15, $0xb8;
	[tilespmem:$0x1F800] =	vst v63  }
0x27: {  	s28 =	simm.s32 $0x80  }
0x28: {  	[tilespmem:s17], [sflag:$0x1] =	stream.indirect.gather [hbm4b:s4+s15], $0x8, s28, s15, $0xb8;
	[tilespmem:$0x1F800] =	vst v63  }
0x29: {  	s28 =	simm.s32 $0x100  }
0x2a: {  	[tilespmem:s18], [sflag:$0x1] =	stream.indirect.gather [hbm4b:s4+s15], $0x8, s28, s15, $0xb8;
	[tilespmem:$0x1F800] =	vst v63  }
0x2b: {  	s28 =	simm.s32 $0x180  }
0x2c: {  	[tilespmem:s19], [sflag:$0x1] =	stream.indirect.gather [hbm4b:s4+s15], $0x8, s28, s15, $0xb8;
	[tilespmem:$0x1F800] =	vst v63  }
0x2d: {  	s28 =	simm.s32 $0x200  }
0x2e: {  	[tilespmem:s20], [sflag:$0x1] =	stream.indirect.gather [hbm4b:s4+s15], $0x8, s28, s15, $0xb8;
	[tilespmem:$0x1F800] =	vst v63  }
0x2f: {  	s28 =	simm.s32 $0x280  }
0x30: {  	[tilespmem:s21], [sflag:$0x1] =	stream.indirect.gather [hbm4b:s4+s15], $0x8, s28, s15, $0xb8;
	[tilespmem:$0x1F800] =	vst v63  }
0x31: {  	s28 =	simm.s32 $0x300  }
0x32: {  	[tilespmem:s22], [sflag:$0x1] =	stream.indirect.gather [hbm4b:s4+s15], $0x8, s28, s15, $0xb8;
	[tilespmem:$0x1F800] =	vst v63  }
0x33: {  	s28 =	simm.s32 $0x380  }
0x34: {  	[tilespmem:s23], [sflag:$0x1] =	stream.indirect.gather [hbm4b:s4+s15], $0x8, s28, s15, $0xb8;
	[tilespmem:$0x1F800] =	vst v63  }
0x35: {  	_ =	swait.ge [sflag:s24], $0x400  }
0x36: {  	[sflag:s24] =	ssyncset.done $0x0  }
0x37: {  	[sflag:s24] =	ssyncadd.s32 $0xFFFFFC00  }
0x38: {  	_ =	swait.ge [sflag:s24], $0x400  }
0x39: {  	[sflag:s24] =	ssyncset.done $0x0  }
0x3a: {  	[sflag:s24] =	ssyncadd.s32 $0xFFFFFC00  }
0x3b: {  	_ =	swait.ge [sflag:s24], $0x400  }
0x3c: {  	[sflag:s24] =	ssyncset.done $0x0  }
0x3d: {  	[sflag:s24] =	ssyncadd.s32 $0xFFFFFC00  }
0x3e: {  	_ =	swait.ge [sflag:s24], $0x400  }
0x3f: {  	[sflag:s24] =	ssyncset.done $0x0  }
0x40: {  	[sflag:s24] =	ssyncadd.s32 $0xFFFFFC00  }
0x41: {  	_ =	swait.ge [sflag:s24], $0x400  }
0x42: {  	[sflag:s24] =	ssyncset.done $0x0  }
0x43: {  	[sflag:s24] =	ssyncadd.s32 $0xFFFFFC00  }
0x44: {  	_ =	swait.ge [sflag:s24], $0x400  }
0x45: {  	[sflag:s24] =	ssyncset.done $0x0  }
0x46: {  	[sflag:s24] =	ssyncadd.s32 $0xFFFFFC00  }
0x47: {  	_ =	swait.ge [sflag:s24], $0x400  }
0x48: {  	[sflag:s24] =	ssyncset.done $0x0  }
0x49: {  	[sflag:s24] =	ssyncadd.s32 $0xFFFFFC00  }
0x4a: {  	_ =	swait.ge [sflag:s24], $0x400  }
0x4b: {  	[sflag:s24] =	ssyncset.done $0x0  }
0x4c: {  	s28 =	simm.s32 $0x2800;
	[sflag:s24] =	ssyncadd.s32 $0xFFFFFC00  }
0x4d: {  	[spmem:s1] =	stream.indirect.scatter.add.f32 [tilespmem:s16], [sflag:$0x2], $0x8, s28, s15, $0xb8;
	[tilespmem:$0x1F800] =	vst v63  }
0x4e: {  	_ =	swait.ge [sflag:s13], $0x400  }
0x4f: {  	[sflag:s13] =	ssyncset.done $0x0  }
0x50: {  	s28 =	simm.s32 $0x2880;
	[sflag:s13] =	ssyncadd.s32 $0xFFFFFC00  }
0x51: {  	[spmem:s1] =	stream.indirect.scatter.add.f32 [tilespmem:s17], [sflag:$0x2], $0x8, s28, s15, $0xb8;
	[tilespmem:$0x1F800] =	vst v63  }
0x52: {  	_ =	swait.ge [sflag:s13], $0x400  }
0x53: {  	[sflag:s13] =	ssyncset.done $0x0  }
0x54: {  	s28 =	simm.s32 $0x2900;
	[sflag:s13] =	ssyncadd.s32 $0xFFFFFC00  }
0x55: {  	[spmem:s1] =	stream.indirect.scatter.add.f32 [tilespmem:s18], [sflag:$0x2], $0x8, s28, s15, $0xb8;
	[tilespmem:$0x1F800] =	vst v63  }
0x56: {  	_ =	swait.ge [sflag:s13], $0x400  }
0x57: {  	[sflag:s13] =	ssyncset.done $0x0  }
0x58: {  	s28 =	simm.s32 $0x2980;
	[sflag:s13] =	ssyncadd.s32 $0xFFFFFC00  }
0x59: {  	[spmem:s1] =	stream.indirect.scatter.add.f32 [tilespmem:s19], [sflag:$0x2], $0x8, s28, s15, $0xb8;
	[tilespmem:$0x1F800] =	vst v63  }
0x5a: {  	_ =	swait.ge [sflag:s13], $0x400  }
0x5b: {  	[sflag:s13] =	ssyncset.done $0x0  }
0x5c: {  	s28 =	simm.s32 $0x2A00;
	[sflag:s13] =	ssyncadd.s32 $0xFFFFFC00  }
0x5d: {  	[spmem:s1] =	stream.indirect.scatter.add.f32 [tilespmem:s20], [sflag:$0x2], $0x8, s28, s15, $0xb8;
	[tilespmem:$0x1F800] =	vst v63  }
0x5e: {  	_ =	swait.ge [sflag:s13], $0x400  }
0x5f: {  	[sflag:s13] =	ssyncset.done $0x0  }
0x60: {  	s28 =	simm.s32 $0x2A80;
	[sflag:s13] =	ssyncadd.s32 $0xFFFFFC00  }
0x61: {  	[spmem:s1] =	stream.indirect.scatter.add.f32 [tilespmem:s21], [sflag:$0x2], $0x8, s28, s15, $0xb8;
	[tilespmem:$0x1F800] =	vst v63  }
0x62: {  	_ =	swait.ge [sflag:s13], $0x400  }
0x63: {  	[sflag:s13] =	ssyncset.done $0x0  }
0x64: {  	s28 =	simm.s32 $0x2B00;
	[sflag:s13] =	ssyncadd.s32 $0xFFFFFC00  }
0x65: {  	[spmem:s1] =	stream.indirect.scatter.add.f32 [tilespmem:s22], [sflag:$0x2], $0x8, s28, s15, $0xb8;
	[tilespmem:$0x1F800] =	vst v63  }
0x66: {  	_ =	swait.ge [sflag:s13], $0x400  }
0x67: {  	[sflag:s13] =	ssyncset.done $0x0  }
0x68: {  	s28 =	simm.s32 $0x2B80;
	[sflag:s13] =	ssyncadd.s32 $0xFFFFFC00  }
0x69: {  	[spmem:s1] =	stream.indirect.scatter.add.f32 [tilespmem:s23], [sflag:$0x2], $0x8, s28, s15, $0xb8;
	[tilespmem:$0x1F800] =	vst v63  }
0x6a: {  	_ =	swait.ge [sflag:s13], $0x400  }
0x6b: {  	s31 =	simm.s32 $0x2000;
	s28 =	simm.s32 $0x1000;
	[sflag:s13] =	ssyncset.done $0x0  }
.LBB2_3:
0x6c: {  	s30 =	sshra.s32 s28, $0x2  }
0x6d: {  	[sflag:s13] =	ssyncadd.s32 $0xFFFFFC00;
	s28 =	smov.u32 s31;
	s29 =	sadd.s32 $0x1000, s31  }
0x6e: {  	[tilespmem:s16], [sflag:$0x1] =	stream.indirect.gather [hbm4b:s4+s15], $0x8, s30, s15, $0xb8;
	[tilespmem:$0x1F800] =	vst v63  }
0x6f: {  	p0 =	sne.s32 s31, $0x9000;
	s31 =	sadd.s32 $0x80, s30  }
0x70: {  	[tilespmem:s17], [sflag:$0x1] =	stream.indirect.gather [hbm4b:s4+s15], $0x8, s31, s15, $0xb8;
	[tilespmem:$0x1F800] =	vst v63  }
0x71: {  	s31 =	sadd.s32 $0x100, s30  }
0x72: {  	[tilespmem:s18], [sflag:$0x1] =	stream.indirect.gather [hbm4b:s4+s15], $0x8, s31, s15, $0xb8;
	[tilespmem:$0x1F800] =	vst v63  }
0x73: {  	s31 =	sadd.s32 $0x180, s30  }
0x74: {  	[tilespmem:s19], [sflag:$0x1] =	stream.indirect.gather [hbm4b:s4+s15], $0x8, s31, s15, $0xb8;
	[tilespmem:$0x1F800] =	vst v63  }
0x75: {  	s31 =	sadd.s32 $0x200, s30  }
0x76: {  	[tilespmem:s20], [sflag:$0x1] =	stream.indirect.gather [hbm4b:s4+s15], $0x8, s31, s15, $0xb8;
	[tilespmem:$0x1F800] =	vst v63  }
0x77: {  	s31 =	sadd.s32 $0x280, s30  }
0x78: {  	[tilespmem:s21], [sflag:$0x1] =	stream.indirect.gather [hbm4b:s4+s15], $0x8, s31, s15, $0xb8;
	[tilespmem:$0x1F800] =	vst v63  }
0x79: {  	s31 =	sadd.s32 $0x300, s30  }
0x7a: {  	[tilespmem:s22], [sflag:$0x1] =	stream.indirect.gather [hbm4b:s4+s15], $0x8, s31, s15, $0xb8;
	[tilespmem:$0x1F800] =	vst v63  }
0x7b: {  	s31 =	sadd.s32 $0x380, s30  }
0x7c: {  	[tilespmem:s23], [sflag:$0x1] =	stream.indirect.gather [hbm4b:s4+s15], $0x8, s31, s15, $0xb8;
	[tilespmem:$0x1F800] =	vst v63  }
0x7d: {  	_ =	swait.ge [sflag:s24], $0x400  }
0x7e: {  	[sflag:s24] =	ssyncset.done $0x0  }
0x7f: {  	[sflag:s24] =	ssyncadd.s32 $0xFFFFFC00  }
0x80: {  	_ =	swait.ge [sflag:s24], $0x400  }
0x81: {  	[sflag:s24] =	ssyncset.done $0x0  }
0x82: {  	[sflag:s24] =	ssyncadd.s32 $0xFFFFFC00  }
0x83: {  	_ =	swait.ge [sflag:s24], $0x400  }
0x84: {  	[sflag:s24] =	ssyncset.done $0x0  }
0x85: {  	[sflag:s24] =	ssyncadd.s32 $0xFFFFFC00  }
0x86: {  	_ =	swait.ge [sflag:s24], $0x400  }
0x87: {  	[sflag:s24] =	ssyncset.done $0x0  }
0x88: {  	[sflag:s24] =	ssyncadd.s32 $0xFFFFFC00  }
0x89: {  	_ =	swait.ge [sflag:s24], $0x400  }
0x8a: {  	[sflag:s24] =	ssyncset.done $0x0  }
0x8b: {  	[sflag:s24] =	ssyncadd.s32 $0xFFFFFC00  }
0x8c: {  	_ =	swait.ge [sflag:s24], $0x400  }
0x8d: {  	[sflag:s24] =	ssyncset.done $0x0  }
0x8e: {  	[sflag:s24] =	ssyncadd.s32 $0xFFFFFC00  }
0x8f: {  	_ =	swait.ge [sflag:s24], $0x400  }
0x90: {  	[sflag:s24] =	ssyncset.done $0x0  }
0x91: {  	[sflag:s24] =	ssyncadd.s32 $0xFFFFFC00  }
0x92: {  	_ =	swait.ge [sflag:s24], $0x400  }
0x93: {  	[sflag:s24] =	ssyncset.done $0x0  }
0x94: {  	s31 =	sadd.s32 $0x2800, s30;
	[sflag:s24] =	ssyncadd.s32 $0xFFFFFC00  }
0x95: {  	[spmem:s1] =	stream.indirect.scatter.add.f32 [tilespmem:s16], [sflag:$0x2], $0x8, s31, s15, $0xb8;
	[tilespmem:$0x1F800] =	vst v63  }
0x96: {  	_ =	swait.ge [sflag:s13], $0x400  }
0x97: {  	[sflag:s13] =	ssyncset.done $0x0  }
0x98: {  	s31 =	sadd.s32 $0x2880, s30;
	[sflag:s13] =	ssyncadd.s32 $0xFFFFFC00  }
0x99: {  	[spmem:s1] =	stream.indirect.scatter.add.f32 [tilespmem:s17], [sflag:$0x2], $0x8, s31, s15, $0xb8;
	[tilespmem:$0x1F800] =	vst v63  }
0x9a: {  	_ =	swait.ge [sflag:s13], $0x400  }
0x9b: {  	[sflag:s13] =	ssyncset.done $0x0  }
0x9c: {  	s31 =	sadd.s32 $0x2900, s30;
	[sflag:s13] =	ssyncadd.s32 $0xFFFFFC00  }
0x9d: {  	[spmem:s1] =	stream.indirect.scatter.add.f32 [tilespmem:s18], [sflag:$0x2], $0x8, s31, s15, $0xb8;
	[tilespmem:$0x1F800] =	vst v63  }
0x9e: {  	_ =	swait.ge [sflag:s13], $0x400  }
0x9f: {  	[sflag:s13] =	ssyncset.done $0x0  }
0xa0: {  	s31 =	sadd.s32 $0x2980, s30;
	[sflag:s13] =	ssyncadd.s32 $0xFFFFFC00  }
0xa1: {  	[spmem:s1] =	stream.indirect.scatter.add.f32 [tilespmem:s19], [sflag:$0x2], $0x8, s31, s15, $0xb8;
	[tilespmem:$0x1F800] =	vst v63  }
0xa2: {  	_ =	swait.ge [sflag:s13], $0x400  }
0xa3: {  	[sflag:s13] =	ssyncset.done $0x0  }
0xa4: {  	s31 =	sadd.s32 $0x2A00, s30;
	[sflag:s13] =	ssyncadd.s32 $0xFFFFFC00  }
0xa5: {  	[spmem:s1] =	stream.indirect.scatter.add.f32 [tilespmem:s20], [sflag:$0x2], $0x8, s31, s15, $0xb8;
	[tilespmem:$0x1F800] =	vst v63  }
0xa6: {  	_ =	swait.ge [sflag:s13], $0x400  }
0xa7: {  	[sflag:s13] =	ssyncset.done $0x0  }
0xa8: {  	s31 =	sadd.s32 $0x2A80, s30;
	[sflag:s13] =	ssyncadd.s32 $0xFFFFFC00  }
0xa9: {  	[spmem:s1] =	stream.indirect.scatter.add.f32 [tilespmem:s21], [sflag:$0x2], $0x8, s31, s15, $0xb8;
	[tilespmem:$0x1F800] =	vst v63  }
0xaa: {  	_ =	swait.ge [sflag:s13], $0x400  }
0xab: {  	[sflag:s13] =	ssyncset.done $0x0  }
0xac: {  	s31 =	sadd.s32 $0x2B00, s30;
	[sflag:s13] =	ssyncadd.s32 $0xFFFFFC00  }
0xad: {  	[spmem:s1] =	stream.indirect.scatter.add.f32 [tilespmem:s22], [sflag:$0x2], $0x8, s31, s15, $0xb8;
	[tilespmem:$0x1F800] =	vst v63  }
0xae: {  	_ =	swait.ge [sflag:s13], $0x400  }
.Ltmp0:
0xaf: {  	[sflag:s13] =	ssyncset.done $0x0;
	(pc) =	sbr.rel @p0 .LBB2_3-.Ltmp0, $4  }
0xb0: {  	s30 =	sadd.s32 $0x2B80, s30;
	[sflag:s13] =	ssyncadd.s32 $0xFFFFFC00  }
0xb1: {  	[spmem:s1] =	stream.indirect.scatter.add.f32 [tilespmem:s23], [sflag:$0x2], $0x8, s30, s15, $0xb8;
	[tilespmem:$0x1F800] =	vst v63  }
0xb2: {  	_ =	swait.ge [sflag:s13], $0x400  }
0xb3: {  	s31 =	smov.u32 s29;
	[sflag:s13] =	ssyncset.done $0x0  }
0xb4: {  	s28 =	sshra.s32 s28, $0x2;
	[sflag:s13] =	ssyncadd.s32 $0xFFFFFC00  }
0xb5: {  	[tilespmem:s16], [sflag:$0x1] =	stream.indirect.gather [hbm4b:s4+s15], $0x8, s28, s15, $0xb8;
	[tilespmem:$0x1F800] =	vst v63  }
0xb6: {  	s29 =	sadd.s32 $0x80, s28  }
0xb7: {  	[tilespmem:s17], [sflag:$0x1] =	stream.indirect.gather [hbm4b:s4+s15], $0x8, s29, s15, $0xb8;
	[tilespmem:$0x1F800] =	vst v63  }
0xb8: {  	s31 =	sadd.s32 $0x100, s28  }
0xb9: {  	[tilespmem:s18], [sflag:$0x1] =	stream.indirect.gather [hbm4b:s4+s15], $0x8, s31, s15, $0xb8;
	[tilespmem:$0x1F800] =	vst v63  }
0xba: {  	s30 =	sadd.s32 $0x180, s28  }
0xbb: {  	[tilespmem:s19], [sflag:$0x1] =	stream.indirect.gather [hbm4b:s4+s15], $0x8, s30, s15, $0xb8;
	[tilespmem:$0x1F800] =	vst v63  }
0xbc: {  	s31 =	sadd.s32 $0x200, s28  }
0xbd: {  	[tilespmem:s20], [sflag:$0x1] =	stream.indirect.gather [hbm4b:s4+s15], $0x8, s31, s15, $0xb8;
	[tilespmem:$0x1F800] =	vst v63  }
0xbe: {  	s30 =	sadd.s32 $0x280, s28  }
0xbf: {  	[tilespmem:s21], [sflag:$0x1] =	stream.indirect.gather [hbm4b:s4+s15], $0x8, s30, s15, $0xb8;
	[tilespmem:$0x1F800] =	vst v63  }
0xc0: {  	s31 =	sadd.s32 $0x300, s28  }
0xc1: {  	[tilespmem:s22], [sflag:$0x1] =	stream.indirect.gather [hbm4b:s4+s15], $0x8, s31, s15, $0xb8;
	[tilespmem:$0x1F800] =	vst v63  }
0xc2: {  	s30 =	sadd.s32 $0x380, s28  }
0xc3: {  	[tilespmem:s23], [sflag:$0x1] =	stream.indirect.gather [hbm4b:s4+s15], $0x8, s30, s15, $0xb8;
	[tilespmem:$0x1F800] =	vst v63  }
0xc4: {  	_ =	swait.ge [sflag:s24], $0x400  }
0xc5: {  	[sflag:s24] =	ssyncset.done $0x0  }
0xc6: {  	[sflag:s24] =	ssyncadd.s32 $0xFFFFFC00  }
0xc7: {  	_ =	swait.ge [sflag:s24], $0x400  }
0xc8: {  	[sflag:s24] =	ssyncset.done $0x0  }
0xc9: {  	[sflag:s24] =	ssyncadd.s32 $0xFFFFFC00  }
0xca: {  	_ =	swait.ge [sflag:s24], $0x400  }
0xcb: {  	[sflag:s24] =	ssyncset.done $0x0  }
0xcc: {  	[sflag:s24] =	ssyncadd.s32 $0xFFFFFC00  }
0xcd: {  	_ =	swait.ge [sflag:s24], $0x400  }
0xce: {  	[sflag:s24] =	ssyncset.done $0x0  }
0xcf: {  	[sflag:s24] =	ssyncadd.s32 $0xFFFFFC00  }
0xd0: {  	_ =	swait.ge [sflag:s24], $0x400  }
0xd1: {  	[sflag:s24] =	ssyncset.done $0x0  }
0xd2: {  	[sflag:s24] =	ssyncadd.s32 $0xFFFFFC00  }
0xd3: {  	_ =	swait.ge [sflag:s24], $0x400  }
0xd4: {  	[sflag:s24] =	ssyncset.done $0x0  }
0xd5: {  	[sflag:s24] =	ssyncadd.s32 $0xFFFFFC00  }
0xd6: {  	_ =	swait.ge [sflag:s24], $0x400  }
0xd7: {  	[sflag:s24] =	ssyncset.done $0x0  }
0xd8: {  	[sflag:s24] =	ssyncadd.s32 $0xFFFFFC00  }
0xd9: {  	_ =	swait.ge [sflag:s24], $0x400  }
0xda: {  	[sflag:s24] =	ssyncset.done $0x0  }
0xdb: {  	s31 =	sadd.s32 $0x2800, s28;
	[sflag:s24] =	ssyncadd.s32 $0xFFFFFC00  }
0xdc: {  	[spmem:s1] =	stream.indirect.scatter.add.f32 [tilespmem:s16], [sflag:$0x2], $0x8, s31, s15, $0xb8;
	[tilespmem:$0x1F800] =	vst v63  }
0xdd: {  	_ =	swait.ge [sflag:s13], $0x400  }
0xde: {  	[sflag:s13] =	ssyncset.done $0x0  }
0xdf: {  	s30 =	sadd.s32 $0x2880, s28;
	[sflag:s13] =	ssyncadd.s32 $0xFFFFFC00  }
0xe0: {  	[spmem:s1] =	stream.indirect.scatter.add.f32 [tilespmem:s17], [sflag:$0x2], $0x8, s30, s15, $0xb8;
	[tilespmem:$0x1F800] =	vst v63  }
0xe1: {  	_ =	swait.ge [sflag:s13], $0x400  }
0xe2: {  	[sflag:s13] =	ssyncset.done $0x0  }
0xe3: {  	s31 =	sadd.s32 $0x2900, s28;
	[sflag:s13] =	ssyncadd.s32 $0xFFFFFC00  }
0xe4: {  	[spmem:s1] =	stream.indirect.scatter.add.f32 [tilespmem:s18], [sflag:$0x2], $0x8, s31, s15, $0xb8;
	[tilespmem:$0x1F800] =	vst v63  }
0xe5: {  	_ =	swait.ge [sflag:s13], $0x400  }
0xe6: {  	[sflag:s13] =	ssyncset.done $0x0  }
0xe7: {  	s30 =	sadd.s32 $0x2980, s28;
	[sflag:s13] =	ssyncadd.s32 $0xFFFFFC00  }
0xe8: {  	[spmem:s1] =	stream.indirect.scatter.add.f32 [tilespmem:s19], [sflag:$0x2], $0x8, s30, s15, $0xb8;
	[tilespmem:$0x1F800] =	vst v63  }
0xe9: {  	_ =	swait.ge [sflag:s13], $0x400  }
0xea: {  	[sflag:s13] =	ssyncset.done $0x0  }
0xeb: {  	s31 =	sadd.s32 $0x2A00, s28;
	[sflag:s13] =	ssyncadd.s32 $0xFFFFFC00  }
0xec: {  	[spmem:s1] =	stream.indirect.scatter.add.f32 [tilespmem:s20], [sflag:$0x2], $0x8, s31, s15, $0xb8;
	[tilespmem:$0x1F800] =	vst v63  }
0xed: {  	_ =	swait.ge [sflag:s13], $0x400  }
0xee: {  	[sflag:s13] =	ssyncset.done $0x0  }
0xef: {  	s30 =	sadd.s32 $0x2A80, s28;
	[sflag:s13] =	ssyncadd.s32 $0xFFFFFC00  }
0xf0: {  	[spmem:s1] =	stream.indirect.scatter.add.f32 [tilespmem:s21], [sflag:$0x2], $0x8, s30, s15, $0xb8;
	[tilespmem:$0x1F800] =	vst v63  }
0xf1: {  	_ =	swait.ge [sflag:s13], $0x400  }
0xf2: {  	[sflag:s13] =	ssyncset.done $0x0  }
0xf3: {  	s31 =	sadd.s32 $0x2B00, s28;
	[sflag:s13] =	ssyncadd.s32 $0xFFFFFC00  }
0xf4: {  	[spmem:s1] =	stream.indirect.scatter.add.f32 [tilespmem:s22], [sflag:$0x2], $0x8, s31, s15, $0xb8;
	[tilespmem:$0x1F800] =	vst v63  }
0xf5: {  	s26 =	sadd.s32 $0x1, s26;
	_ =	swait.ge [sflag:s13], $0x400  }
0xf6: {  	p0 =	sne.s32 s26, $0xA;
	[sflag:s13] =	ssyncset.done $0x0  }
.Ltmp1:
0xf7: {  	s28 =	sadd.s32 $0x2B80, s28;
	[sflag:s13] =	ssyncadd.s32 $0xFFFFFC00;
	(pc) =	sbr.rel @p0 .LBB2_2-.Ltmp1, $4  }
0xf8: {  	[spmem:s1] =	stream.indirect.scatter.add.f32 [tilespmem:s23], [sflag:$0x2], $0x8, s28, s15, $0xb8;
	[tilespmem:$0x1F800] =	vst v63  }
0xf9: {  	_ =	swait.ge [sflag:s13], $0x400  }
0xfa: {  	[sflag:s13] =	ssyncset.done $0x0  }
0xfb: {  	[sflag:s13] =	ssyncadd.s32 $0xFFFFFC00  }
0xfc: {  	[bflag:$0x0] =	sbarrier.arrive $0xFFFF  }
0xfd: {  	[tilespmem:s12], [sflag:$0x2] =	stream.linear.gather [spmem:s8], $0xC400, $0x38;
	[tilespmem:$0x1F800] =	vst v63  }
0xfe: {  	s25 =	sadd.s32 $0x1, s25;
	_ =	swait.ge [sflag:s13], $0xC400  }
0xff: {  	p0 =	sne.s32 s25, s11;
	[sflag:s13] =	ssyncset.done $0x0  }
.Ltmp2:
0x100: {  	[sflag:s13] =	ssyncadd.s32 $0xFFFF3C00;
	(pc) =	sbr.rel @p0 .LBB2_1-.Ltmp2, $4  }
0x101: {  	[hbm4b:s10+s3] =	stream.linear.scatter [tilespmem:s12], [sflag:$0x2], $0xC400, $0x38;
	[tilespmem:$0x1F800] =	vst v63  }
0x102: {  	_ =	swait.ge [sflag:s13], $0xC400  }
0x103: {  	[sflag:s13] =	ssyncset.done $0x0  }
0x104: {  	[sflag:s13] =	ssyncadd.s32 $0xFFFF3C00  }
0x105: {  	_ =	sfence.sel $0x180000  }
0x106: {  	[bflag:$0x0] =	sbarrier.arrive $0xFFFF  }
0x107: {  	p0 =	sne.s32 s2, $0x0;
	_ =	strace $0x90000047  }
0x108: {  	s0 =	sadd.s32 @!p0 $0x100000, s0;
	[bflag:$0x2] =	sbarrier.arrive $0xFFFF  }
0x109: {  	[sflag:s0] =	ssyncadd.tile.s32 @!p0 $0x1;
	_ =	shalt  }
.Lfunc_end2:
_tile_overlayer_lowered:
.L_overlay_start_2:
0x10a: {  	(tag) =	ssettag $0x2  }
0x10b: {  	s0 =	rddreg [dreg:$0x0];
	s2 =	stileid.u32  }
0x10c: {  	s1 =	rddreg [dreg:$0x1];
	p0 =	sne.s32 s2, $0x0  }
0x10d: {  	s3 =	rddreg [dreg:$0x2];
	[bflag:$0x3] =	sbarrier.arrive $0xFFFF;
	s2 =	simm.s32 @!p0 $0x1C02  }
0x10e: {  	[timem:s3], [sflag:s2] =	dma.local @!p0 [hbm:s0], s1  }
0x10f: {  	s0 =	simm.s32 @!p0 $0x2  }
0x110: {  	_ =	swait.ge @!p0 [sflag:s0], s1  }
0x111: {  	s1 =	ssub.s32 @!p0 $0x0, s1;
	[sflag:s0] =	ssyncset.done @!p0 $0x0  }
0x112: {  	[sflag:s0] =	ssyncadd.s32 @!p0 s1  }
0x113: {  	[bflag:$0x3] =	sbarrier.arrive $0xFFFF  }
0x114: {  	_ =	shalt  }

</sc_bundles>
